<compile_context>
chip_gen: v7x
topology: tpu7x:2x2x1
jax: 0.10.2.dev20260603
libtpu: 0.0.44.dev20260713+nightly
codegen_flags: <defaults>
</compile_context>

<pallas_src>
import dataclasses
import functools

import jax
import jax.numpy as jnp
from jax import lax
from jax.experimental import pallas as pl
from jax.experimental.pallas import tpu as pltpu
from jax.experimental.pallas import tpu_sc as plsc

B = 32
HID = 64
TP = 8192
KMID = 30
NEG = -3.0e38




def _scores_body(embT_ref, gum_ref, feat_ref, para_ref, W1_ref, b1_ref,
                 W2_ref, b2_ref, Wp_ref, bp_ref, Ws1_ref, bs1_ref, ws2_ref,
                 y_ref, fpT_s, c1T_s, e2T_s, w34_s):
    i = pl.program_id(0)
    dn = (((0,), (0,)), ((), ()))

    @pl.when(i == 0)
    def _init():
        h1 = jnp.maximum(
            jax.lax.dot_general(para_ref[...], W1_ref[...],
                                (((1,), (0,)), ((), ())),
                                preferred_element_type=jnp.float32)
            + b1_ref[...], 0.0)
        para_emb = jax.lax.dot_general(h1, W2_ref[...],
                                       (((1,), (0,)), ((), ())),
                                       preferred_element_type=jnp.float32) \
            + b2_ref[...]
        feat_cat = jnp.concatenate([feat_ref[...], para_emb], axis=1)
        fpT = jax.lax.dot_general(Wp_ref[...], feat_cat,
                                  (((0,), (1,)), ((), ())),
                                  preferred_element_type=jnp.float32) \
            + bp_ref[...]
        fpT_s[...] = fpT
        c1T_s[...] = jax.lax.dot_general(Ws1_ref[0:64, :], fpT, dn,
                                         preferred_element_type=jnp.float32) \
            + bs1_ref[...]
        e2T_s[...] = jax.lax.dot_general(Ws1_ref[64:128, :], embT_ref[...],
                                         dn,
                                         preferred_element_type=jnp.float32)
        w34_s[...] = jnp.concatenate([Ws1_ref[128:192, :],
                                      Ws1_ref[192:256, :]], axis=0)

    bsel = lax.broadcasted_iota(jnp.int32, (HID, B), 1) == i
    q_col = jnp.sum(jnp.where(bsel, fpT_s[...], 0.0), axis=1,
                    keepdims=True)
    c1_col = jnp.sum(jnp.where(bsel, c1T_s[...], 0.0), axis=1,
                     keepdims=True)
    x34 = jnp.concatenate([q_col - embT_ref[...], q_col * embT_ref[...]],
                          axis=0)
    hT = jax.lax.dot_general(w34_s[...], x34, dn,
                             preferred_element_type=jnp.float32) \
        + e2T_s[...] + c1_col
    rh = jnp.maximum(hT, 0.0)
    s = jax.lax.dot_general(ws2_ref[...], rh, dn,
                            preferred_element_type=jnp.float32)
    y_ref[0] = s + gum_ref[0]


def _scores(embT, gum, feat_seq, para, W1, b1, W2, b2, Wp, bp, Ws1, bs1, ws2):
    full = lambda shape: pl.BlockSpec(shape, lambda b: (0, 0))
    return pl.pallas_call(
        _scores_body,
        grid=(B,),
        in_specs=[
            full((HID, TP)),
            pl.BlockSpec((1, 1, TP), lambda b: (b, 0, 0)),
            full((B, 1024)),
            full((B, 2)),
            full((2, 2 * HID)),
            full((1, 2 * HID)),
            full((2 * HID, HID)),
            full((1, HID)),
            full((1024 + HID, HID)),
            full((HID, 1)),
            full((4 * HID, HID)),
            full((HID, 1)),
            full((HID, 1)),
        ],
        out_specs=pl.BlockSpec((1, 1, TP), lambda b: (b, 0, 0)),
        out_shape=jax.ShapeDtypeStruct((B, 1, TP), jnp.float32),
        scratch_shapes=[
            pltpu.VMEM((HID, B), jnp.float32),
            pltpu.VMEM((HID, B), jnp.float32),
            pltpu.VMEM((HID, TP), jnp.float32),
            pltpu.VMEM((2 * HID, HID), jnp.float32),
        ],
        compiler_params=pltpu.CompilerParams(
            dimension_semantics=("arbitrary",)),
    )(embT, gum, feat_seq, para, W1, b1, W2, b2, Wp, bp, Ws1, bs1, ws2)



_NGRP = 32
_BIG = 1 << 30


def _topk_body(y_hbm, out_hbm, row_v, p_v, idx_v, sem):
    wid = lax.axis_index("s") * 2 + lax.axis_index("c")
    pltpu.async_copy(y_hbm.at[wid], row_v, sem).wait()
    iota16 = lax.iota(jnp.int32, 16)

    @pl.loop(0, _NGRP)
    def _build(g):
        base = g * 256
        m = row_v[pl.ds(base, 16)]
        for i in range(1, 16):
            m = jnp.maximum(m, row_v[pl.ds(base + i * 16, 16)])
        p_v[pl.ds(g * 16, 16)] = m

    @pl.loop(0, KMID)
    def _select(k):
        m16 = p_v[pl.ds(0, 16)]
        for g in range(1, _NGRP):
            m16 = jnp.maximum(m16, p_v[pl.ds(g * 16, 16)])
        gm = jnp.max(m16)
        l = jnp.min(jnp.where(m16 == gm, iota16, _BIG))
        gidx = iota16 * 16 + l
        g1 = plsc.load_gather(p_v, [gidx])
        g2 = plsc.load_gather(p_v, [gidx + 256])
        j1 = jnp.min(jnp.where(g1 == gm, iota16, _BIG))
        j2 = jnp.min(jnp.where(g2 == gm, iota16 + 16, _BIG))
        jst = jnp.minimum(j1, j2)
        ridx = jst * 256 + iota16 * 16 + l
        rv = plsc.load_gather(row_v, [ridx])
        rst = jnp.min(jnp.where(rv == gm, iota16, _BIG))
        t = jst * 256 + rst * 16 + l
        slot = k + 1
        v0 = idx_v[pl.ds(0, 16)]
        idx_v[pl.ds(0, 16)] = jnp.where(iota16 == slot, t + 1, v0)
        v1 = idx_v[pl.ds(16, 16)]
        idx_v[pl.ds(16, 16)] = jnp.where(iota16 + 16 == slot, t + 1, v1)
        vbase = jst * 256 + rst * 16
        vec = row_v[pl.ds(vbase, 16)]
        row_v[pl.ds(vbase, 16)] = jnp.where(iota16 == l, NEG, vec)
        m = row_v[pl.ds(jst * 256, 16)]
        for i in range(1, 16):
            m = jnp.maximum(m, row_v[pl.ds(jst * 256 + i * 16, 16)])
        p_v[pl.ds(jst * 16, 16)] = m

    v0 = jnp.where(iota16 == 0, 0, idx_v[pl.ds(0, 16)])
    v1 = jnp.where(iota16 == 15, TP - 1, idx_v[pl.ds(16, 16)])
    sa = lax.sort(v0, dimension=0)
    sb = lax.rev(lax.sort(v1, dimension=0), (0,))
    lo = jnp.minimum(sa, sb)
    hi = jnp.maximum(sa, sb)
    idx_v[pl.ds(0, 16)] = lax.sort(lo, dimension=0)
    idx_v[pl.ds(16, 16)] = lax.sort(hi, dimension=0)
    pltpu.sync_copy(idx_v, out_hbm.at[wid])


def _topk(y):
    mesh = plsc.VectorSubcoreMesh(core_axis_name="c", subcore_axis_name="s")
    cp = pltpu.CompilerParams()
    if "needs_layout_passes" in pltpu.CompilerParams.__dataclass_fields__:
        cp = dataclasses.replace(cp, needs_layout_passes=False)
    kern = functools.partial(
        pl.kernel,
        out_type=jax.ShapeDtypeStruct((B, B), jnp.int32),
        mesh=mesh,
        compiler_params=cp,
        scratch_types=[
            pltpu.VMEM((TP,), jnp.float32),
            pltpu.VMEM((_NGRP * 16,), jnp.float32),
            pltpu.VMEM((B,), jnp.int32),
            pltpu.SemaphoreType.DMA,
        ],
    )(_topk_body)
    return kern(y)


def kernel(feat_seq, para, W1, b1, W2, b2, Wp, bp, emb_table, Ws1, bs1, Ws2,
           bs2, gumbel):
    embT = jnp.pad(emb_table, ((0, 2), (0, 0))).T
    gum = jnp.pad(gumbel, ((0, 0), (0, 2)),
                  constant_values=-jnp.inf).reshape(B, 1, TP)
    y = _scores(embT, gum, feat_seq, para, W1, b1.reshape(1, 2 * HID), W2,
                b2.reshape(1, HID), Wp, bp.reshape(HID, 1), Ws1,
                bs1.reshape(HID, 1), Ws2.reshape(HID, 1))
    return _topk(y.reshape(B, TP))

# --- scband reference (transcript-rebuilt; emitter-appended) ---
"""Pipeline reference for scband-gumbel-selector-58076547776717 (READ-ONLY COPY).

The authoritative reference and input builder live on the scoring server;
editing this copy changes nothing except your own understanding.
"""

import jax, jax.numpy as jnp
import numpy as np

B = 32
D_IN = 1024
HID = 64
T = 8192
K = 32
TAU = 1.0


def setup_inputs(seed: int = 0) -> dict:
    key = jax.random.key(seed)
    ks = jax.random.split(key, 16)
    inp = {}
    inp["feat_seq"] = jax.random.normal(ks[0], (B, D_IN), dtype=jnp.float32)
    inp["para"] = jax.random.normal(ks[1], (B, 2), dtype=jnp.float32)
    # para_emb: MLP(2 -> 2*HID -> HID)
    inp["W1"] = jax.random.normal(ks[2], (2, 2 * HID), dtype=jnp.float32) * 0.05
    inp["b1"] = jnp.zeros((2 * HID,), dtype=jnp.float32)
    inp["W2"] = jax.random.normal(ks[3], (2 * HID, HID), dtype=jnp.float32) * 0.05
    inp["b2"] = jnp.zeros((HID,), dtype=jnp.float32)
    # feat_proj: LazyLinear((D_IN + HID) -> HID)
    inp["Wp"] = jax.random.normal(ks[4], (D_IN + HID, HID), dtype=jnp.float32) * 0.05
    inp["bp"] = jnp.zeros((HID,), dtype=jnp.float32)
    # learned position embedding table for middle frames
    inp["emb_table"] = jax.random.normal(ks[5], (T - 2, HID), dtype=jnp.float32) * 0.02
    # score_mlp: MLP(4*HID -> HID -> 1)
    inp["Ws1"] = jax.random.normal(ks[6], (4 * HID, HID), dtype=jnp.float32) * 0.05
    inp["bs1"] = jnp.zeros((HID,), dtype=jnp.float32)
    inp["Ws2"] = jax.random.normal(ks[7], (HID, 1), dtype=jnp.float32) * 0.05
    inp["bs2"] = jnp.zeros((1,), dtype=jnp.float32)
    # Gumbel(0,1) noise, precomputed for determinism: g = -log(Exp(1))
    e = jax.random.exponential(ks[8], (B, T - 2), dtype=jnp.float32)
    inp["gumbel"] = -jnp.log(e)
    return inp


def reference(feat_seq, para, W1, b1, W2, b2, Wp, bp, emb_table, Ws1, bs1, Ws2, bs2, gumbel):
    # para_emb = MLP(para)
    h = jax.nn.relu(para @ W1 + b1)
    para_emb = h @ W2 + b2
    feat_cat = jnp.concatenate([feat_seq, para_emb], axis=-1)
    feat_proj = feat_cat @ Wp + bp  # (B, HID)
    Bn = feat_proj.shape[0]
    Tm2 = emb_table.shape[0]
    q = jnp.broadcast_to(feat_proj[:, None, :], (Bn, Tm2, feat_proj.shape[1]))
    e = jnp.broadcast_to(emb_table[None, :, :], (Bn, Tm2, emb_table.shape[1]))
    din = jnp.concatenate([q, e, q - e, q * e], axis=-1)  # (B, T-2, 4*HID)
    s = jax.nn.relu(din @ Ws1 + bs1) @ Ws2 + bs2  # (B, T-2, 1)
    scores = s[..., 0]  # (B, T-2)
    y = (scores + gumbel) / TAU
    _, sel_mid = jax.lax.top_k(y, K - 2)  # (B, K-2) indices into middle frames
    idx = jnp.concatenate([
        jnp.zeros((Bn, 1), dtype=jnp.int32),
        (sel_mid + 1).astype(jnp.int32),
        jnp.full((Bn, 1), T - 1, dtype=jnp.int32),
    ], axis=1)
    idx = jnp.sort(idx, axis=1)
    return idx

if __name__ == "__main__":
    import jax
    _d = setup_inputs()
    print(jax.jit(kernel)(*tuple(_d.values())))

</pallas_src>

<mosaic_0001>
#map = affine_map<(d0, d1) -> (0, 0)>
module attributes {stable_mosaic.version = 14 : i64} {
  func.func @_topk_body(%arg0: i32, %arg1: i32, %arg2: memref<32x8192xf32, #tpu.memory_space<hbm>>, %arg3: memref<32x32xi32, #tpu.memory_space<hbm>>, %arg4: memref<8192xf32, #tpu.memory_space<vmem>>, %arg5: memref<512xf32, #tpu.memory_space<vmem>>, %arg6: memref<32xi32, #tpu.memory_space<vmem>>, %arg7: memref<!tpu.dma_semaphore, #tpu.memory_space<semaphore_mem>>) attributes {dimension_semantics = [#tpu.dimension_semantics<core_parallel>, #tpu.dimension_semantics<subcore_parallel>], iteration_bounds = array<i64: 2, 16>, scalar_prefetch = 0 : i64, scratch_operands = 4 : i64, tpu.core_type = #tpu.core_type<sc_vector_subcore>, window_params = [{transform_indices = #map}, {transform_indices = #map}]} {
    %mul3A = arith.constant 2 : i32
    %mul3A_0 = arith.muli %arg1, %mul3A : i32
    %add3A = arith.addi %mul3A_0, %arg0 : i32
    %dma_start3A = arith.constant 0 : i32
    %dma_start3A_1 = tpu.memref_slice %arg2[%add3A, %dma_start3A] : memref<32x8192xf32, #tpu.memory_space<hbm>> -> memref<1x8192xf32, #tpu.memory_space<hbm>>
    %dma_start3A_2 = tpu.memref_squeeze %dma_start3A_1 : memref<1x8192xf32, #tpu.memory_space<hbm>> -> memref<8192xf32, #tpu.memory_space<hbm>>
    %dma_start3A_3 = arith.constant 0 : i32
    %dma_start3A_4 = tpu.memref_slice %arg2[%add3A, %dma_start3A_3] : memref<32x8192xf32, #tpu.memory_space<hbm>> -> memref<1x8192xf32, #tpu.memory_space<hbm>>
    %dma_start3A_5 = tpu.memref_squeeze %dma_start3A_4 : memref<1x8192xf32, #tpu.memory_space<hbm>> -> memref<8192xf32, #tpu.memory_space<hbm>>
    tpu.enqueue_dma source(%dma_start3A_5 : memref<8192xf32, #tpu.memory_space<hbm>>) target(%arg4 : memref<8192xf32, #tpu.memory_space<vmem>>) target_semaphore(%arg7 : memref<!tpu.dma_semaphore, #tpu.memory_space<semaphore_mem>>)
    %dma_wait3A = arith.constant 0 : i32
    %dma_wait3A_6 = tpu.memref_slice %arg2[%add3A, %dma_wait3A] : memref<32x8192xf32, #tpu.memory_space<hbm>> -> memref<1x8192xf32, #tpu.memory_space<hbm>>
    %dma_wait3A_7 = tpu.memref_squeeze %dma_wait3A_6 : memref<1x8192xf32, #tpu.memory_space<hbm>> -> memref<8192xf32, #tpu.memory_space<hbm>>
    %dma_wait3A_8 = arith.constant 0 : i32
    %dma_wait3A_9 = tpu.memref_slice %arg2[%add3A, %dma_wait3A_8] : memref<32x8192xf32, #tpu.memory_space<hbm>> -> memref<1x8192xf32, #tpu.memory_space<hbm>>
    %dma_wait3A_10 = tpu.memref_squeeze %dma_wait3A_9 : memref<1x8192xf32, #tpu.memory_space<hbm>> -> memref<8192xf32, #tpu.memory_space<hbm>>
    tpu.wait_dma2 semaphore(%arg7 : memref<!tpu.dma_semaphore, #tpu.memory_space<semaphore_mem>>) src(%dma_wait3A_10 : memref<8192xf32, #tpu.memory_space<hbm>>) dst(%arg4 : memref<8192xf32, #tpu.memory_space<vmem>>)
    %iota3A = tpu.iota {dimensions = array<i32: 0>} : vector<16xi32>
    %scan3A = arith.constant 0 : i32
    %scan3A_11 = arith.constant 32 : i32
    %scan3A_12 = arith.addi %scan3A, %scan3A_11 : i32
    %scan3A_13 = arith.constant 1 : i32
    scf.for %scan3A_53 = %scan3A to %scan3A_12 step %scan3A_13  : i32 {
      %mul3A_54 = arith.constant 1 : i32
      %mul3A_55 = arith.muli %scan3A_53, %mul3A_54 : i32
      %add3A_56 = arith.constant 0 : i32
      %add3A_57 = arith.addi %add3A_56, %mul3A_55 : i32
      %mul3A_58 = arith.constant 256 : i32
      %mul3A_59 = arith.muli %add3A_57, %mul3A_58 : i32
      %get3A_60 = arith.index_cast %mul3A_59 : i32 to index
      %get3A_61 = tpu.vector_load %arg4[%get3A_60] {strides = array<i32>} : memref<8192xf32, #tpu.memory_space<vmem>>, vector<16xf32>,
      %add3A_62 = arith.constant 16 : i32
      %add3A_63 = arith.addi %mul3A_59, %add3A_62 : i32
      %get3A_64 = arith.index_cast %add3A_63 : i32 to index
      %get3A_65 = tpu.vector_load %arg4[%get3A_64] {strides = array<i32>} : memref<8192xf32, #tpu.memory_space<vmem>>, vector<16xf32>,
      %max3A_66 = arith.maximumf %get3A_61, %get3A_65 : vector<16xf32>
      %add3A_67 = arith.constant 32 : i32
      %add3A_68 = arith.addi %mul3A_59, %add3A_67 : i32
      %get3A_69 = arith.index_cast %add3A_68 : i32 to index
      %get3A_70 = tpu.vector_load %arg4[%get3A_69] {strides = array<i32>} : memref<8192xf32, #tpu.memory_space<vmem>>, vector<16xf32>,
      %max3A_71 = arith.maximumf %max3A_66, %get3A_70 : vector<16xf32>
      %add3A_72 = arith.constant 48 : i32
      %add3A_73 = arith.addi %mul3A_59, %add3A_72 : i32
      %get3A_74 = arith.index_cast %add3A_73 : i32 to index
      %get3A_75 = tpu.vector_load %arg4[%get3A_74] {strides = array<i32>} : memref<8192xf32, #tpu.memory_space<vmem>>, vector<16xf32>,
      %max3A_76 = arith.maximumf %max3A_71, %get3A_75 : vector<16xf32>
      %add3A_77 = arith.constant 64 : i32
      %add3A_78 = arith.addi %mul3A_59, %add3A_77 : i32
      %get3A_79 = arith.index_cast %add3A_78 : i32 to index
      %get3A_80 = tpu.vector_load %arg4[%get3A_79] {strides = array<i32>} : memref<8192xf32, #tpu.memory_space<vmem>>, vector<16xf32>,
      %max3A_81 = arith.maximumf %max3A_76, %get3A_80 : vector<16xf32>
      %add3A_82 = arith.constant 80 : i32
      %add3A_83 = arith.addi %mul3A_59, %add3A_82 : i32
      %get3A_84 = arith.index_cast %add3A_83 : i32 to index
      %get3A_85 = tpu.vector_load %arg4[%get3A_84] {strides = array<i32>} : memref<8192xf32, #tpu.memory_space<vmem>>, vector<16xf32>,
      %max3A_86 = arith.maximumf %max3A_81, %get3A_85 : vector<16xf32>
      %add3A_87 = arith.constant 96 : i32
      %add3A_88 = arith.addi %mul3A_59, %add3A_87 : i32
      %get3A_89 = arith.index_cast %add3A_88 : i32 to index
      %get3A_90 = tpu.vector_load %arg4[%get3A_89] {strides = array<i32>} : memref<8192xf32, #tpu.memory_space<vmem>>, vector<16xf32>,
      %max3A_91 = arith.maximumf %max3A_86, %get3A_90 : vector<16xf32>
      %add3A_92 = arith.constant 112 : i32
      %add3A_93 = arith.addi %mul3A_59, %add3A_92 : i32
      %get3A_94 = arith.index_cast %add3A_93 : i32 to index
      %get3A_95 = tpu.vector_load %arg4[%get3A_94] {strides = array<i32>} : memref<8192xf32, #tpu.memory_space<vmem>>, vector<16xf32>,
      %max3A_96 = arith.maximumf %max3A_91, %get3A_95 : vector<16xf32>
      %add3A_97 = arith.constant 128 : i32
      %add3A_98 = arith.addi %mul3A_59, %add3A_97 : i32
      %get3A_99 = arith.index_cast %add3A_98 : i32 to index
      %get3A_100 = tpu.vector_load %arg4[%get3A_99] {strides = array<i32>} : memref<8192xf32, #tpu.memory_space<vmem>>, vector<16xf32>,
      %max3A_101 = arith.maximumf %max3A_96, %get3A_100 : vector<16xf32>
      %add3A_102 = arith.constant 144 : i32
      %add3A_103 = arith.addi %mul3A_59, %add3A_102 : i32
      %get3A_104 = arith.index_cast %add3A_103 : i32 to index
      %get3A_105 = tpu.vector_load %arg4[%get3A_104] {strides = array<i32>} : memref<8192xf32, #tpu.memory_space<vmem>>, vector<16xf32>,
      %max3A_106 = arith.maximumf %max3A_101, %get3A_105 : vector<16xf32>
      %add3A_107 = arith.constant 160 : i32
      %add3A_108 = arith.addi %mul3A_59, %add3A_107 : i32
      %get3A_109 = arith.index_cast %add3A_108 : i32 to index
      %get3A_110 = tpu.vector_load %arg4[%get3A_109] {strides = array<i32>} : memref<8192xf32, #tpu.memory_space<vmem>>, vector<16xf32>,
      %max3A_111 = arith.maximumf %max3A_106, %get3A_110 : vector<16xf32>
      %add3A_112 = arith.constant 176 : i32
      %add3A_113 = arith.addi %mul3A_59, %add3A_112 : i32
      %get3A_114 = arith.index_cast %add3A_113 : i32 to index
      %get3A_115 = tpu.vector_load %arg4[%get3A_114] {strides = array<i32>} : memref<8192xf32, #tpu.memory_space<vmem>>, vector<16xf32>,
      %max3A_116 = arith.maximumf %max3A_111, %get3A_115 : vector<16xf32>
      %add3A_117 = arith.constant 192 : i32
      %add3A_118 = arith.addi %mul3A_59, %add3A_117 : i32
      %get3A_119 = arith.index_cast %add3A_118 : i32 to index
      %get3A_120 = tpu.vector_load %arg4[%get3A_119] {strides = array<i32>} : memref<8192xf32, #tpu.memory_space<vmem>>, vector<16xf32>,
      %max3A_121 = arith.maximumf %max3A_116, %get3A_120 : vector<16xf32>
      %add3A_122 = arith.constant 208 : i32
      %add3A_123 = arith.addi %mul3A_59, %add3A_122 : i32
      %get3A_124 = arith.index_cast %add3A_123 : i32 to index
      %get3A_125 = tpu.vector_load %arg4[%get3A_124] {strides = array<i32>} : memref<8192xf32, #tpu.memory_space<vmem>>, vector<16xf32>,
      %max3A_126 = arith.maximumf %max3A_121, %get3A_125 : vector<16xf32>
      %add3A_127 = arith.constant 224 : i32
      %add3A_128 = arith.addi %mul3A_59, %add3A_127 : i32
      %get3A_129 = arith.index_cast %add3A_128 : i32 to index
      %get3A_130 = tpu.vector_load %arg4[%get3A_129] {strides = array<i32>} : memref<8192xf32, #tpu.memory_space<vmem>>, vector<16xf32>,
      %max3A_131 = arith.maximumf %max3A_126, %get3A_130 : vector<16xf32>
      %add3A_132 = arith.constant 240 : i32
      %add3A_133 = arith.addi %mul3A_59, %add3A_132 : i32
      %get3A_134 = arith.index_cast %add3A_133 : i32 to index
      %get3A_135 = tpu.vector_load %arg4[%get3A_134] {strides = array<i32>} : memref<8192xf32, #tpu.memory_space<vmem>>, vector<16xf32>,
      %max3A_136 = arith.maximumf %max3A_131, %get3A_135 : vector<16xf32>
      %mul3A_137 = arith.constant 16 : i32
      %mul3A_138 = arith.muli %add3A_57, %mul3A_137 : i32
      %swap3A_139 = arith.index_cast %mul3A_138 : i32 to index
      %swap3A_140 = tpu.vector_load %arg5[%swap3A_139] {strides = array<i32>} : memref<512xf32, #tpu.memory_space<vmem>>, vector<16xf32>,
      tpu.vector_store %arg5[%swap3A_139], %max3A_136 {strides = array<i32>} : memref<512xf32, #tpu.memory_space<vmem>>, vector<16xf32>,
    }
    %scan3A_14 = arith.constant 32 : i32
    %scan3A_15 = arith.constant 0 : i32
    %scan3A_16 = arith.constant 30 : i32
    %scan3A_17 = arith.addi %scan3A_15, %scan3A_16 : i32
    %scan3A_18 = arith.constant 1 : i32
    scf.for %scan3A_53 = %scan3A_15 to %scan3A_17 step %scan3A_18  : i32 {
      %mul3A_54 = arith.constant 1 : i32
      %mul3A_55 = arith.muli %scan3A_53, %mul3A_54 : i32
      %add3A_56 = arith.constant 0 : i32
      %add3A_57 = arith.addi %add3A_56, %mul3A_55 : i32
      %get3A_58 = arith.constant 0 : index
      %get3A_59 = tpu.vector_load %arg5[%get3A_58] {strides = array<i32>} : memref<512xf32, #tpu.memory_space<vmem>>, vector<16xf32>,
      %get3A_60 = arith.constant 16 : index
      %get3A_61 = tpu.vector_load %arg5[%get3A_60] {strides = array<i32>} : memref<512xf32, #tpu.memory_space<vmem>>, vector<16xf32>,
      %max3A_62 = arith.maximumf %get3A_59, %get3A_61 : vector<16xf32>
      %get3A_63 = arith.constant 32 : index
      %get3A_64 = tpu.vector_load %arg5[%get3A_63] {strides = array<i32>} : memref<512xf32, #tpu.memory_space<vmem>>, vector<16xf32>,
      %max3A_65 = arith.maximumf %max3A_62, %get3A_64 : vector<16xf32>
      %get3A_66 = arith.constant 48 : index
      %get3A_67 = tpu.vector_load %arg5[%get3A_66] {strides = array<i32>} : memref<512xf32, #tpu.memory_space<vmem>>, vector<16xf32>,
      %max3A_68 = arith.maximumf %max3A_65, %get3A_67 : vector<16xf32>
      %get3A_69 = arith.constant 64 : index
      %get3A_70 = tpu.vector_load %arg5[%get3A_69] {strides = array<i32>} : memref<512xf32, #tpu.memory_space<vmem>>, vector<16xf32>,
      %max3A_71 = arith.maximumf %max3A_68, %get3A_70 : vector<16xf32>
      %get3A_72 = arith.constant 80 : index
      %get3A_73 = tpu.vector_load %arg5[%get3A_72] {strides = array<i32>} : memref<512xf32, #tpu.memory_space<vmem>>, vector<16xf32>,
      %max3A_74 = arith.maximumf %max3A_71, %get3A_73 : vector<16xf32>
      %get3A_75 = arith.constant 96 : index
      %get3A_76 = tpu.vector_load %arg5[%get3A_75] {strides = array<i32>} : memref<512xf32, #tpu.memory_space<vmem>>, vector<16xf32>,
      %max3A_77 = arith.maximumf %max3A_74, %get3A_76 : vector<16xf32>
      %get3A_78 = arith.constant 112 : index
      %get3A_79 = tpu.vector_load %arg5[%get3A_78] {strides = array<i32>} : memref<512xf32, #tpu.memory_space<vmem>>, vector<16xf32>,
      %max3A_80 = arith.maximumf %max3A_77, %get3A_79 : vector<16xf32>
      %get3A_81 = arith.constant 128 : index
      %get3A_82 = tpu.vector_load %arg5[%get3A_81] {strides = array<i32>} : memref<512xf32, #tpu.memory_space<vmem>>, vector<16xf32>,
      %max3A_83 = arith.maximumf %max3A_80, %get3A_82 : vector<16xf32>
      %get3A_84 = arith.constant 144 : index
      %get3A_85 = tpu.vector_load %arg5[%get3A_84] {strides = array<i32>} : memref<512xf32, #tpu.memory_space<vmem>>, vector<16xf32>,
      %max3A_86 = arith.maximumf %max3A_83, %get3A_85 : vector<16xf32>
      %get3A_87 = arith.constant 160 : index
      %get3A_88 = tpu.vector_load %arg5[%get3A_87] {strides = array<i32>} : memref<512xf32, #tpu.memory_space<vmem>>, vector<16xf32>,
      %max3A_89 = arith.maximumf %max3A_86, %get3A_88 : vector<16xf32>
      %get3A_90 = arith.constant 176 : index
      %get3A_91 = tpu.vector_load %arg5[%get3A_90] {strides = array<i32>} : memref<512xf32, #tpu.memory_space<vmem>>, vector<16xf32>,
      %max3A_92 = arith.maximumf %max3A_89, %get3A_91 : vector<16xf32>
      %get3A_93 = arith.constant 192 : index
      %get3A_94 = tpu.vector_load %arg5[%get3A_93] {strides = array<i32>} : memref<512xf32, #tpu.memory_space<vmem>>, vector<16xf32>,
      %max3A_95 = arith.maximumf %max3A_92, %get3A_94 : vector<16xf32>
      %get3A_96 = arith.constant 208 : index
      %get3A_97 = tpu.vector_load %arg5[%get3A_96] {strides = array<i32>} : memref<512xf32, #tpu.memory_space<vmem>>, vector<16xf32>,
      %max3A_98 = arith.maximumf %max3A_95, %get3A_97 : vector<16xf32>
      %get3A_99 = arith.constant 224 : index
      %get3A_100 = tpu.vector_load %arg5[%get3A_99] {strides = array<i32>} : memref<512xf32, #tpu.memory_space<vmem>>, vector<16xf32>,
      %max3A_101 = arith.maximumf %max3A_98, %get3A_100 : vector<16xf32>
      %get3A_102 = arith.constant 240 : index
      %get3A_103 = tpu.vector_load %arg5[%get3A_102] {strides = array<i32>} : memref<512xf32, #tpu.memory_space<vmem>>, vector<16xf32>,
      %max3A_104 = arith.maximumf %max3A_101, %get3A_103 : vector<16xf32>
      %get3A_105 = arith.constant 256 : index
      %get3A_106 = tpu.vector_load %arg5[%get3A_105] {strides = array<i32>} : memref<512xf32, #tpu.memory_space<vmem>>, vector<16xf32>,
      %max3A_107 = arith.maximumf %max3A_104, %get3A_106 : vector<16xf32>
      %get3A_108 = arith.constant 272 : index
      %get3A_109 = tpu.vector_load %arg5[%get3A_108] {strides = array<i32>} : memref<512xf32, #tpu.memory_space<vmem>>, vector<16xf32>,
      %max3A_110 = arith.maximumf %max3A_107, %get3A_109 : vector<16xf32>
      %get3A_111 = arith.constant 288 : index
      %get3A_112 = tpu.vector_load %arg5[%get3A_111] {strides = array<i32>} : memref<512xf32, #tpu.memory_space<vmem>>, vector<16xf32>,
      %max3A_113 = arith.maximumf %max3A_110, %get3A_112 : vector<16xf32>
      %get3A_114 = arith.constant 304 : index
      %get3A_115 = tpu.vector_load %arg5[%get3A_114] {strides = array<i32>} : memref<512xf32, #tpu.memory_space<vmem>>, vector<16xf32>,
      %max3A_116 = arith.maximumf %max3A_113, %get3A_115 : vector<16xf32>
      %get3A_117 = arith.constant 320 : index
      %get3A_118 = tpu.vector_load %arg5[%get3A_117] {strides = array<i32>} : memref<512xf32, #tpu.memory_space<vmem>>, vector<16xf32>,
      %max3A_119 = arith.maximumf %max3A_116, %get3A_118 : vector<16xf32>
      %get3A_120 = arith.constant 336 : index
      %get3A_121 = tpu.vector_load %arg5[%get3A_120] {strides = array<i32>} : memref<512xf32, #tpu.memory_space<vmem>>, vector<16xf32>,
      %max3A_122 = arith.maximumf %max3A_119, %get3A_121 : vector<16xf32>
      %get3A_123 = arith.constant 352 : index
      %get3A_124 = tpu.vector_load %arg5[%get3A_123] {strides = array<i32>} : memref<512xf32, #tpu.memory_space<vmem>>, vector<16xf32>,
      %max3A_125 = arith.maximumf %max3A_122, %get3A_124 : vector<16xf32>
      %get3A_126 = arith.constant 368 : index
      %get3A_127 = tpu.vector_load %arg5[%get3A_126] {strides = array<i32>} : memref<512xf32, #tpu.memory_space<vmem>>, vector<16xf32>,
      %max3A_128 = arith.maximumf %max3A_125, %get3A_127 : vector<16xf32>
      %get3A_129 = arith.constant 384 : index
      %get3A_130 = tpu.vector_load %arg5[%get3A_129] {strides = array<i32>} : memref<512xf32, #tpu.memory_space<vmem>>, vector<16xf32>,
      %max3A_131 = arith.maximumf %max3A_128, %get3A_130 : vector<16xf32>
      %get3A_132 = arith.constant 400 : index
      %get3A_133 = tpu.vector_load %arg5[%get3A_132] {strides = array<i32>} : memref<512xf32, #tpu.memory_space<vmem>>, vector<16xf32>,
      %max3A_134 = arith.maximumf %max3A_131, %get3A_133 : vector<16xf32>
      %get3A_135 = arith.constant 416 : index
      %get3A_136 = tpu.vector_load %arg5[%get3A_135] {strides = array<i32>} : memref<512xf32, #tpu.memory_space<vmem>>, vector<16xf32>,
      %max3A_137 = arith.maximumf %max3A_134, %get3A_136 : vector<16xf32>
      %get3A_138 = arith.constant 432 : index
      %get3A_139 = tpu.vector_load %arg5[%get3A_138] {strides = array<i32>} : memref<512xf32, #tpu.memory_space<vmem>>, vector<16xf32>,
      %max3A_140 = arith.maximumf %max3A_137, %get3A_139 : vector<16xf32>
      %get3A_141 = arith.constant 448 : index
      %get3A_142 = tpu.vector_load %arg5[%get3A_141] {strides = array<i32>} : memref<512xf32, #tpu.memory_space<vmem>>, vector<16xf32>,
      %max3A_143 = arith.maximumf %max3A_140, %get3A_142 : vector<16xf32>
      %get3A_144 = arith.constant 464 : index
      %get3A_145 = tpu.vector_load %arg5[%get3A_144] {strides = array<i32>} : memref<512xf32, #tpu.memory_space<vmem>>, vector<16xf32>,
      %max3A_146 = arith.maximumf %max3A_143, %get3A_145 : vector<16xf32>
      %get3A_147 = arith.constant 480 : index
      %get3A_148 = tpu.vector_load %arg5[%get3A_147] {strides = array<i32>} : memref<512xf32, #tpu.memory_space<vmem>>, vector<16xf32>,
      %max3A_149 = arith.maximumf %max3A_146, %get3A_148 : vector<16xf32>
      %get3A_150 = arith.constant 496 : index
      %get3A_151 = tpu.vector_load %arg5[%get3A_150] {strides = array<i32>} : memref<512xf32, #tpu.memory_space<vmem>>, vector<16xf32>,
      %max3A_152 = arith.maximumf %max3A_149, %get3A_151 : vector<16xf32>
      %reduce_max3A = arith.constant true
      %reduce_max3A_153 = vector.broadcast %reduce_max3A : i1 to vector<16xi1>
      %reduce_max3A_154 = tpu.scan <max>, %max3A_152 masked %reduce_max3A_153 : vector<16xf32>, vector<16xi1> -> vector<16xf32>
      %reduce_max3A_155 = vector.extract %reduce_max3A_154[15] : f32 from vector<16xf32>
      %eq3A_156 = vector.broadcast %reduce_max3A_155 : f32 to vector<16xf32>
      %eq3A_157 = arith.cmpf oeq, %max3A_152, %eq3A_156 : vector<16xf32>
      %jit3A_158 = arith.constant 1073741824 : i32
      %broadcast_in_dim3A_159 = vector.broadcast %jit3A_158 : i32 to vector<16xi32>
      %select_n3A_160 = arith.select %eq3A_157, %iota3A, %broadcast_in_dim3A_159 : vector<16xi1>, vector<16xi32>
      %reduce_min3A = arith.constant true
      %reduce_min3A_161 = vector.broadcast %reduce_min3A : i1 to vector<16xi1>
      %reduce_min3A_162 = arith.constant -2147483648 : i32
      %reduce_min3A_163 = vector.broadcast %reduce_min3A_162 : i32 to vector<16xi32>
      %reduce_min3A_164 = arith.xori %select_n3A_160, %reduce_min3A_163 : vector<16xi32>
      %reduce_min3A_165 = tpu.scan <min>, %reduce_min3A_164 masked %reduce_min3A_161 : vector<16xi32>, vector<16xi1> -> vector<16xi32>
      %reduce_min3A_166 = arith.xori %reduce_min3A_165, %reduce_min3A_163 : vector<16xi32>
      %reduce_min3A_167 = vector.extract %reduce_min3A_166[15] : i32 from vector<16xi32>
      %mul3A_168 = arith.constant 16 : i32
      %mul3A_169 = vector.broadcast %mul3A_168 : i32 to vector<16xi32>
      %mul3A_170 = arith.muli %iota3A, %mul3A_169 : vector<16xi32>
      %add3A_171 = vector.broadcast %reduce_min3A_167 : i32 to vector<16xi32>
      %add3A_172 = arith.addi %mul3A_170, %add3A_171 : vector<16xi32>
      %gather3A = tpu.vector_load_idx %arg5[%add3A_172] : memref<512xf32, #tpu.memory_space<vmem>>[vector<16xi32>], vector<16xf32>,
      %add3A_173 = arith.constant 256 : i32
      %add3A_174 = vector.broadcast %add3A_173 : i32 to vector<16xi32>
      %add3A_175 = arith.addi %add3A_172, %add3A_174 : vector<16xi32>
      %gather3A_176 = tpu.vector_load_idx %arg5[%add3A_175] : memref<512xf32, #tpu.memory_space<vmem>>[vector<16xi32>], vector<16xf32>,
      %eq3A_177 = vector.broadcast %reduce_max3A_155 : f32 to vector<16xf32>
      %eq3A_178 = arith.cmpf oeq, %gather3A, %eq3A_177 : vector<16xf32>
      %jit3A_179 = arith.constant 1073741824 : i32
      %broadcast_in_dim3A_180 = vector.broadcast %jit3A_179 : i32 to vector<16xi32>
      %select_n3A_181 = arith.select %eq3A_178, %iota3A, %broadcast_in_dim3A_180 : vector<16xi1>, vector<16xi32>
      %reduce_min3A_182 = arith.constant true
      %reduce_min3A_183 = vector.broadcast %reduce_min3A_182 : i1 to vector<16xi1>
      %reduce_min3A_184 = arith.constant -2147483648 : i32
      %reduce_min3A_185 = vector.broadcast %reduce_min3A_184 : i32 to vector<16xi32>
      %reduce_min3A_186 = arith.xori %select_n3A_181, %reduce_min3A_185 : vector<16xi32>
      %reduce_min3A_187 = tpu.scan <min>, %reduce_min3A_186 masked %reduce_min3A_183 : vector<16xi32>, vector<16xi1> -> vector<16xi32>
      %reduce_min3A_188 = arith.xori %reduce_min3A_187, %reduce_min3A_185 : vector<16xi32>
      %reduce_min3A_189 = vector.extract %reduce_min3A_188[15] : i32 from vector<16xi32>
      %eq3A_190 = vector.broadcast %reduce_max3A_155 : f32 to vector<16xf32>
      %eq3A_191 = arith.cmpf oeq, %gather3A_176, %eq3A_190 : vector<16xf32>
      %add3A_192 = arith.constant 16 : i32
      %add3A_193 = vector.broadcast %add3A_192 : i32 to vector<16xi32>
      %add3A_194 = arith.addi %iota3A, %add3A_193 : vector<16xi32>
      %jit3A_195 = arith.constant 1073741824 : i32
      %broadcast_in_dim3A_196 = vector.broadcast %jit3A_195 : i32 to vector<16xi32>
      %select_n3A_197 = arith.select %eq3A_191, %add3A_194, %broadcast_in_dim3A_196 : vector<16xi1>, vector<16xi32>
      %reduce_min3A_198 = arith.constant true
      %reduce_min3A_199 = vector.broadcast %reduce_min3A_198 : i1 to vector<16xi1>
      %reduce_min3A_200 = arith.constant -2147483648 : i32
      %reduce_min3A_201 = vector.broadcast %reduce_min3A_200 : i32 to vector<16xi32>
      %reduce_min3A_202 = arith.xori %select_n3A_197, %reduce_min3A_201 : vector<16xi32>
      %reduce_min3A_203 = tpu.scan <min>, %reduce_min3A_202 masked %reduce_min3A_199 : vector<16xi32>, vector<16xi1> -> vector<16xi32>
      %reduce_min3A_204 = arith.xori %reduce_min3A_203, %reduce_min3A_201 : vector<16xi32>
      %reduce_min3A_205 = vector.extract %reduce_min3A_204[15] : i32 from vector<16xi32>
      %min3A_206 = arith.minsi %reduce_min3A_189, %reduce_min3A_205 : i32
      %mul3A_207 = arith.constant 256 : i32
      %mul3A_208 = arith.muli %min3A_206, %mul3A_207 : i32
      %mul3A_209 = arith.constant 16 : i32
      %mul3A_210 = vector.broadcast %mul3A_209 : i32 to vector<16xi32>
      %mul3A_211 = arith.muli %iota3A, %mul3A_210 : vector<16xi32>
      %add3A_212 = vector.broadcast %mul3A_208 : i32 to vector<16xi32>
      %add3A_213 = arith.addi %add3A_212, %mul3A_211 : vector<16xi32>
      %add3A_214 = vector.broadcast %reduce_min3A_167 : i32 to vector<16xi32>
      %add3A_215 = arith.addi %add3A_213, %add3A_214 : vector<16xi32>
      %gather3A_216 = tpu.vector_load_idx %arg4[%add3A_215] : memref<8192xf32, #tpu.memory_space<vmem>>[vector<16xi32>], vector<16xf32>,
      %eq3A_217 = vector.broadcast %reduce_max3A_155 : f32 to vector<16xf32>
      %eq3A_218 = arith.cmpf oeq, %gather3A_216, %eq3A_217 : vector<16xf32>
      %jit3A_219 = arith.constant 1073741824 : i32
      %broadcast_in_dim3A_220 = vector.broadcast %jit3A_219 : i32 to vector<16xi32>
      %select_n3A_221 = arith.select %eq3A_218, %iota3A, %broadcast_in_dim3A_220 : vector<16xi1>, vector<16xi32>
      %reduce_min3A_222 = arith.constant true
      %reduce_min3A_223 = vector.broadcast %reduce_min3A_222 : i1 to vector<16xi1>
      %reduce_min3A_224 = arith.constant -2147483648 : i32
      %reduce_min3A_225 = vector.broadcast %reduce_min3A_224 : i32 to vector<16xi32>
      %reduce_min3A_226 = arith.xori %select_n3A_221, %reduce_min3A_225 : vector<16xi32>
      %reduce_min3A_227 = tpu.scan <min>, %reduce_min3A_226 masked %reduce_min3A_223 : vector<16xi32>, vector<16xi1> -> vector<16xi32>
      %reduce_min3A_228 = arith.xori %reduce_min3A_227, %reduce_min3A_225 : vector<16xi32>
      %reduce_min3A_229 = vector.extract %reduce_min3A_228[15] : i32 from vector<16xi32>
      %mul3A_230 = arith.constant 256 : i32
      %mul3A_231 = arith.muli %min3A_206, %mul3A_230 : i32
      %mul3A_232 = arith.constant 16 : i32
      %mul3A_233 = arith.muli %reduce_min3A_229, %mul3A_232 : i32
      %add3A_234 = arith.addi %mul3A_231, %mul3A_233 : i32
      %add3A_235 = arith.addi %add3A_234, %reduce_min3A_167 : i32
      %add3A_236 = arith.constant 1 : i32
      %add3A_237 = arith.addi %add3A_57, %add3A_236 : i32
      %get3A_238 = arith.constant 0 : index
      %get3A_239 = tpu.vector_load %arg6[%get3A_238] {strides = array<i32>} : memref<32xi32, #tpu.memory_space<vmem>>, vector<16xi32>,
      %eq3A_240 = vector.broadcast %add3A_237 : i32 to vector<16xi32>
      %eq3A_241 = arith.cmpi eq, %iota3A, %eq3A_240 : vector<16xi32>
      %add3A_242 = arith.constant 1 : i32
      %add3A_243 = arith.addi %add3A_235, %add3A_242 : i32
      %broadcast_in_dim3A_244 = vector.broadcast %add3A_243 : i32 to vector<16xi32>
      %select_n3A_245 = arith.select %eq3A_241, %broadcast_in_dim3A_244, %get3A_239 : vector<16xi1>, vector<16xi32>
      %swap3A_246 = arith.constant 0 : index
      %swap3A_247 = tpu.vector_load %arg6[%swap3A_246] {strides = array<i32>} : memref<32xi32, #tpu.memory_space<vmem>>, vector<16xi32>,
      tpu.vector_store %arg6[%swap3A_246], %select_n3A_245 {strides = array<i32>} : memref<32xi32, #tpu.memory_space<vmem>>, vector<16xi32>,
      %get3A_248 = arith.constant 16 : index
      %get3A_249 = tpu.vector_load %arg6[%get3A_248] {strides = array<i32>} : memref<32xi32, #tpu.memory_space<vmem>>, vector<16xi32>,
      %add3A_250 = arith.constant 16 : i32
      %add3A_251 = vector.broadcast %add3A_250 : i32 to vector<16xi32>
      %add3A_252 = arith.addi %iota3A, %add3A_251 : vector<16xi32>
      %eq3A_253 = vector.broadcast %add3A_237 : i32 to vector<16xi32>
      %eq3A_254 = arith.cmpi eq, %add3A_252, %eq3A_253 : vector<16xi32>
      %add3A_255 = arith.constant 1 : i32
      %add3A_256 = arith.addi %add3A_235, %add3A_255 : i32
      %broadcast_in_dim3A_257 = vector.broadcast %add3A_256 : i32 to vector<16xi32>
      %select_n3A_258 = arith.select %eq3A_254, %broadcast_in_dim3A_257, %get3A_249 : vector<16xi1>, vector<16xi32>
      %swap3A_259 = arith.constant 16 : index
      %swap3A_260 = tpu.vector_load %arg6[%swap3A_259] {strides = array<i32>} : memref<32xi32, #tpu.memory_space<vmem>>, vector<16xi32>,
      tpu.vector_store %arg6[%swap3A_259], %select_n3A_258 {strides = array<i32>} : memref<32xi32, #tpu.memory_space<vmem>>, vector<16xi32>,
      %mul3A_261 = arith.constant 256 : i32
      %mul3A_262 = arith.muli %min3A_206, %mul3A_261 : i32
      %mul3A_263 = arith.constant 16 : i32
      %mul3A_264 = arith.muli %reduce_min3A_229, %mul3A_263 : i32
      %add3A_265 = arith.addi %mul3A_262, %mul3A_264 : i32
      %get3A_266 = arith.index_cast %add3A_265 : i32 to index
      %get3A_267 = tpu.vector_load %arg4[%get3A_266] {strides = array<i32>} : memref<8192xf32, #tpu.memory_space<vmem>>, vector<16xf32>,
      %eq3A_268 = vector.broadcast %reduce_min3A_167 : i32 to vector<16xi32>
      %eq3A_269 = arith.cmpi eq, %iota3A, %eq3A_268 : vector<16xi32>
      %jit3A_270 = arith.constant -3.000000e+38 : f32
      %broadcast_in_dim3A_271 = vector.broadcast %jit3A_270 : f32 to vector<16xf32>
      %select_n3A_272 = arith.select %eq3A_269, %broadcast_in_dim3A_271, %get3A_267 : vector<16xi1>, vector<16xf32>
      %swap3A_273 = arith.index_cast %add3A_265 : i32 to index
      %swap3A_274 = tpu.vector_load %arg4[%swap3A_273] {strides = array<i32>} : memref<8192xf32, #tpu.memory_space<vmem>>, vector<16xf32>,
      tpu.vector_store %arg4[%swap3A_273], %select_n3A_272 {strides = array<i32>} : memref<8192xf32, #tpu.memory_space<vmem>>, vector<16xf32>,
      %mul3A_275 = arith.constant 256 : i32
      %mul3A_276 = arith.muli %min3A_206, %mul3A_275 : i32
      %get3A_277 = arith.index_cast %mul3A_276 : i32 to index
      %get3A_278 = tpu.vector_load %arg4[%get3A_277] {strides = array<i32>} : memref<8192xf32, #tpu.memory_space<vmem>>, vector<16xf32>,
      %mul3A_279 = arith.constant 256 : i32
      %mul3A_280 = arith.muli %min3A_206, %mul3A_279 : i32
      %add3A_281 = arith.constant 16 : i32
      %add3A_282 = arith.addi %mul3A_280, %add3A_281 : i32
      %get3A_283 = arith.index_cast %add3A_282 : i32 to index
      %get3A_284 = tpu.vector_load %arg4[%get3A_283] {strides = array<i32>} : memref<8192xf32, #tpu.memory_space<vmem>>, vector<16xf32>,
      %max3A_285 = arith.maximumf %get3A_278, %get3A_284 : vector<16xf32>
      %mul3A_286 = arith.constant 256 : i32
      %mul3A_287 = arith.muli %min3A_206, %mul3A_286 : i32
      %add3A_288 = arith.constant 32 : i32
      %add3A_289 = arith.addi %mul3A_287, %add3A_288 : i32
      %get3A_290 = arith.index_cast %add3A_289 : i32 to index
      %get3A_291 = tpu.vector_load %arg4[%get3A_290] {strides = array<i32>} : memref<8192xf32, #tpu.memory_space<vmem>>, vector<16xf32>,
      %max3A_292 = arith.maximumf %max3A_285, %get3A_291 : vector<16xf32>
      %mul3A_293 = arith.constant 256 : i32
      %mul3A_294 = arith.muli %min3A_206, %mul3A_293 : i32
      %add3A_295 = arith.constant 48 : i32
      %add3A_296 = arith.addi %mul3A_294, %add3A_295 : i32
      %get3A_297 = arith.index_cast %add3A_296 : i32 to index
      %get3A_298 = tpu.vector_load %arg4[%get3A_297] {strides = array<i32>} : memref<8192xf32, #tpu.memory_space<vmem>>, vector<16xf32>,
      %max3A_299 = arith.maximumf %max3A_292, %get3A_298 : vector<16xf32>
      %mul3A_300 = arith.constant 256 : i32
      %mul3A_301 = arith.muli %min3A_206, %mul3A_300 : i32
      %add3A_302 = arith.constant 64 : i32
      %add3A_303 = arith.addi %mul3A_301, %add3A_302 : i32
      %get3A_304 = arith.index_cast %add3A_303 : i32 to index
      %get3A_305 = tpu.vector_load %arg4[%get3A_304] {strides = array<i32>} : memref<8192xf32, #tpu.memory_space<vmem>>, vector<16xf32>,
      %max3A_306 = arith.maximumf %max3A_299, %get3A_305 : vector<16xf32>
      %mul3A_307 = arith.constant 256 : i32
      %mul3A_308 = arith.muli %min3A_206, %mul3A_307 : i32
      %add3A_309 = arith.constant 80 : i32
      %add3A_310 = arith.addi %mul3A_308, %add3A_309 : i32
      %get3A_311 = arith.index_cast %add3A_310 : i32 to index
      %get3A_312 = tpu.vector_load %arg4[%get3A_311] {strides = array<i32>} : memref<8192xf32, #tpu.memory_space<vmem>>, vector<16xf32>,
      %max3A_313 = arith.maximumf %max3A_306, %get3A_312 : vector<16xf32>
      %mul3A_314 = arith.constant 256 : i32
      %mul3A_315 = arith.muli %min3A_206, %mul3A_314 : i32
      %add3A_316 = arith.constant 96 : i32
      %add3A_317 = arith.addi %mul3A_315, %add3A_316 : i32
      %get3A_318 = arith.index_cast %add3A_317 : i32 to index
      %get3A_319 = tpu.vector_load %arg4[%get3A_318] {strides = array<i32>} : memref<8192xf32, #tpu.memory_space<vmem>>, vector<16xf32>,
      %max3A_320 = arith.maximumf %max3A_313, %get3A_319 : vector<16xf32>
      %mul3A_321 = arith.constant 256 : i32
      %mul3A_322 = arith.muli %min3A_206, %mul3A_321 : i32
      %add3A_323 = arith.constant 112 : i32
      %add3A_324 = arith.addi %mul3A_322, %add3A_323 : i32
      %get3A_325 = arith.index_cast %add3A_324 : i32 to index
      %get3A_326 = tpu.vector_load %arg4[%get3A_325] {strides = array<i32>} : memref<8192xf32, #tpu.memory_space<vmem>>, vector<16xf32>,
      %max3A_327 = arith.maximumf %max3A_320, %get3A_326 : vector<16xf32>
      %mul3A_328 = arith.constant 256 : i32
      %mul3A_329 = arith.muli %min3A_206, %mul3A_328 : i32
      %add3A_330 = arith.constant 128 : i32
      %add3A_331 = arith.addi %mul3A_329, %add3A_330 : i32
      %get3A_332 = arith.index_cast %add3A_331 : i32 to index
      %get3A_333 = tpu.vector_load %arg4[%get3A_332] {strides = array<i32>} : memref<8192xf32, #tpu.memory_space<vmem>>, vector<16xf32>,
      %max3A_334 = arith.maximumf %max3A_327, %get3A_333 : vector<16xf32>
      %mul3A_335 = arith.constant 256 : i32
      %mul3A_336 = arith.muli %min3A_206, %mul3A_335 : i32
      %add3A_337 = arith.constant 144 : i32
      %add3A_338 = arith.addi %mul3A_336, %add3A_337 : i32
      %get3A_339 = arith.index_cast %add3A_338 : i32 to index
      %get3A_340 = tpu.vector_load %arg4[%get3A_339] {strides = array<i32>} : memref<8192xf32, #tpu.memory_space<vmem>>, vector<16xf32>,
      %max3A_341 = arith.maximumf %max3A_334, %get3A_340 : vector<16xf32>
      %mul3A_342 = arith.constant 256 : i32
      %mul3A_343 = arith.muli %min3A_206, %mul3A_342 : i32
      %add3A_344 = arith.constant 160 : i32
      %add3A_345 = arith.addi %mul3A_343, %add3A_344 : i32
      %get3A_346 = arith.index_cast %add3A_345 : i32 to index
      %get3A_347 = tpu.vector_load %arg4[%get3A_346] {strides = array<i32>} : memref<8192xf32, #tpu.memory_space<vmem>>, vector<16xf32>,
      %max3A_348 = arith.maximumf %max3A_341, %get3A_347 : vector<16xf32>
      %mul3A_349 = arith.constant 256 : i32
      %mul3A_350 = arith.muli %min3A_206, %mul3A_349 : i32
      %add3A_351 = arith.constant 176 : i32
      %add3A_352 = arith.addi %mul3A_350, %add3A_351 : i32
      %get3A_353 = arith.index_cast %add3A_352 : i32 to index
      %get3A_354 = tpu.vector_load %arg4[%get3A_353] {strides = array<i32>} : memref<8192xf32, #tpu.memory_space<vmem>>, vector<16xf32>,
      %max3A_355 = arith.maximumf %max3A_348, %get3A_354 : vector<16xf32>
      %mul3A_356 = arith.constant 256 : i32
      %mul3A_357 = arith.muli %min3A_206, %mul3A_356 : i32
      %add3A_358 = arith.constant 192 : i32
      %add3A_359 = arith.addi %mul3A_357, %add3A_358 : i32
      %get3A_360 = arith.index_cast %add3A_359 : i32 to index
      %get3A_361 = tpu.vector_load %arg4[%get3A_360] {strides = array<i32>} : memref<8192xf32, #tpu.memory_space<vmem>>, vector<16xf32>,
      %max3A_362 = arith.maximumf %max3A_355, %get3A_361 : vector<16xf32>
      %mul3A_363 = arith.constant 256 : i32
      %mul3A_364 = arith.muli %min3A_206, %mul3A_363 : i32
      %add3A_365 = arith.constant 208 : i32
      %add3A_366 = arith.addi %mul3A_364, %add3A_365 : i32
      %get3A_367 = arith.index_cast %add3A_366 : i32 to index
      %get3A_368 = tpu.vector_load %arg4[%get3A_367] {strides = array<i32>} : memref<8192xf32, #tpu.memory_space<vmem>>, vector<16xf32>,
      %max3A_369 = arith.maximumf %max3A_362, %get3A_368 : vector<16xf32>
      %mul3A_370 = arith.constant 256 : i32
      %mul3A_371 = arith.muli %min3A_206, %mul3A_370 : i32
      %add3A_372 = arith.constant 224 : i32
      %add3A_373 = arith.addi %mul3A_371, %add3A_372 : i32
      %get3A_374 = arith.index_cast %add3A_373 : i32 to index
      %get3A_375 = tpu.vector_load %arg4[%get3A_374] {strides = array<i32>} : memref<8192xf32, #tpu.memory_space<vmem>>, vector<16xf32>,
      %max3A_376 = arith.maximumf %max3A_369, %get3A_375 : vector<16xf32>
      %mul3A_377 = arith.constant 256 : i32
      %mul3A_378 = arith.muli %min3A_206, %mul3A_377 : i32
      %add3A_379 = arith.constant 240 : i32
      %add3A_380 = arith.addi %mul3A_378, %add3A_379 : i32
      %get3A_381 = arith.index_cast %add3A_380 : i32 to index
      %get3A_382 = tpu.vector_load %arg4[%get3A_381] {strides = array<i32>} : memref<8192xf32, #tpu.memory_space<vmem>>, vector<16xf32>,
      %max3A_383 = arith.maximumf %max3A_376, %get3A_382 : vector<16xf32>
      %mul3A_384 = arith.constant 16 : i32
      %mul3A_385 = arith.muli %min3A_206, %mul3A_384 : i32
      %swap3A_386 = arith.index_cast %mul3A_385 : i32 to index
      %swap3A_387 = tpu.vector_load %arg5[%swap3A_386] {strides = array<i32>} : memref<512xf32, #tpu.memory_space<vmem>>, vector<16xf32>,
      tpu.vector_store %arg5[%swap3A_386], %max3A_383 {strides = array<i32>} : memref<512xf32, #tpu.memory_space<vmem>>, vector<16xf32>,
    }
    %scan3A_19 = arith.constant 30 : i32
    %eq3A = arith.constant 0 : i32
    %eq3A_20 = vector.broadcast %eq3A : i32 to vector<16xi32>
    %eq3A_21 = arith.cmpi eq, %iota3A, %eq3A_20 : vector<16xi32>
    %get3A = arith.constant 0 : index
    %get3A_22 = tpu.vector_load %arg6[%get3A] {strides = array<i32>} : memref<32xi32, #tpu.memory_space<vmem>>, vector<16xi32>,
    %jit3A = arith.constant 0 : i32
    %broadcast_in_dim3A = vector.broadcast %jit3A : i32 to vector<16xi32>
    %select_n3A = arith.select %eq3A_21, %broadcast_in_dim3A, %get3A_22 : vector<16xi1>, vector<16xi32>
    %eq3A_23 = arith.constant 15 : i32
    %eq3A_24 = vector.broadcast %eq3A_23 : i32 to vector<16xi32>
    %eq3A_25 = arith.cmpi eq, %iota3A, %eq3A_24 : vector<16xi32>
    %get3A_26 = arith.constant 16 : index
    %get3A_27 = tpu.vector_load %arg6[%get3A_26] {strides = array<i32>} : memref<32xi32, #tpu.memory_space<vmem>>, vector<16xi32>,
    %jit3A_28 = arith.constant 8191 : i32
    %broadcast_in_dim3A_29 = vector.broadcast %jit3A_28 : i32 to vector<16xi32>
    %select_n3A_30 = arith.select %eq3A_25, %broadcast_in_dim3A_29, %get3A_27 : vector<16xi1>, vector<16xi32>
    %sort3A = arith.constant dense<true> : vector<16xi1>
    %sort3A_31, %sort3A_32, %sort3A_33 = tpu.sort %select_n3A, %select_n3A masked %sort3A : (vector<16xi32>, vector<16xi32>, vector<16xi1>) -> (vector<16xi1>, vector<16xi32>, vector<16xi32>)
    %sort3A_34 = arith.constant dense<true> : vector<16xi1>
    %sort3A_35, %sort3A_36, %sort3A_37 = tpu.sort %select_n3A_30, %select_n3A_30 masked %sort3A_34 : (vector<16xi32>, vector<16xi32>, vector<16xi1>) -> (vector<16xi1>, vector<16xi32>, vector<16xi32>)
    %rev3A = arith.constant 15 : i32
    %rev3A_38 = vector.broadcast %rev3A : i32 to vector<16xi32>
    %rev3A_39 = tpu.iota {dimensions = array<i32: 0>} : vector<16xi32>
    %rev3A_40 = arith.subi %rev3A_38, %rev3A_39 : vector<16xi32>
    %rev3A_41 = tpu.dynamic_gather %sort3A_36[%rev3A_40] in [0] : vector<16xi32>, vector<16xi32> -> vector<16xi32>
    %min3A = arith.minsi %sort3A_32, %rev3A_41 : vector<16xi32>
    %max3A = arith.maxsi %sort3A_32, %rev3A_41 : vector<16xi32>
    %sort3A_42 = arith.constant dense<true> : vector<16xi1>
    %sort3A_43, %sort3A_44, %sort3A_45 = tpu.sort %min3A, %min3A masked %sort3A_42 : (vector<16xi32>, vector<16xi32>, vector<16xi1>) -> (vector<16xi1>, vector<16xi32>, vector<16xi32>)
    %swap3A = arith.constant 0 : index
    %swap3A_46 = tpu.vector_load %arg6[%swap3A] {strides = array<i32>} : memref<32xi32, #tpu.memory_space<vmem>>, vector<16xi32>,
    tpu.vector_store %arg6[%swap3A], %sort3A_44 {strides = array<i32>} : memref<32xi32, #tpu.memory_space<vmem>>, vector<16xi32>,
    %sort3A_47 = arith.constant dense<true> : vector<16xi1>
    %sort3A_48, %sort3A_49, %sort3A_50 = tpu.sort %max3A, %max3A masked %sort3A_47 : (vector<16xi32>, vector<16xi32>, vector<16xi1>) -> (vector<16xi1>, vector<16xi32>, vector<16xi32>)
    %swap3A_51 = arith.constant 16 : index
    %swap3A_52 = tpu.vector_load %arg6[%swap3A_51] {strides = array<i32>} : memref<32xi32, #tpu.memory_space<vmem>>, vector<16xi32>,
    tpu.vector_store %arg6[%swap3A_51], %sort3A_49 {strides = array<i32>} : memref<32xi32, #tpu.memory_space<vmem>>, vector<16xi32>,
    "tpu.region"() ({
      %run_scoped3A = tpu.sem_alloc : memref<!tpu.dma_semaphore, #tpu.memory_space<semaphore_mem>>
      %dma_start3A_53 = arith.constant 0 : i32
      %dma_start3A_54 = tpu.memref_slice %arg3[%add3A, %dma_start3A_53] : memref<32x32xi32, #tpu.memory_space<hbm>> -> memref<1x32xi32, #tpu.memory_space<hbm>>
      %dma_start3A_55 = tpu.memref_squeeze %dma_start3A_54 : memref<1x32xi32, #tpu.memory_space<hbm>> -> memref<32xi32, #tpu.memory_space<hbm>>
      %dma_start3A_56 = arith.constant 0 : i32
      %dma_start3A_57 = tpu.memref_slice %arg3[%add3A, %dma_start3A_56] : memref<32x32xi32, #tpu.memory_space<hbm>> -> memref<1x32xi32, #tpu.memory_space<hbm>>
      %dma_start3A_58 = tpu.memref_squeeze %dma_start3A_57 : memref<1x32xi32, #tpu.memory_space<hbm>> -> memref<32xi32, #tpu.memory_space<hbm>>
      tpu.enqueue_dma source(%arg6 : memref<32xi32, #tpu.memory_space<vmem>>) target(%dma_start3A_58 : memref<32xi32, #tpu.memory_space<hbm>>) target_semaphore(%run_scoped3A : memref<!tpu.dma_semaphore, #tpu.memory_space<semaphore_mem>>)
      %dma_wait3A_59 = arith.constant 0 : i32
      %dma_wait3A_60 = tpu.memref_slice %arg3[%add3A, %dma_wait3A_59] : memref<32x32xi32, #tpu.memory_space<hbm>> -> memref<1x32xi32, #tpu.memory_space<hbm>>
      %dma_wait3A_61 = tpu.memref_squeeze %dma_wait3A_60 : memref<1x32xi32, #tpu.memory_space<hbm>> -> memref<32xi32, #tpu.memory_space<hbm>>
      %dma_wait3A_62 = arith.constant 0 : i32
      %dma_wait3A_63 = tpu.memref_slice %arg3[%add3A, %dma_wait3A_62] : memref<32x32xi32, #tpu.memory_space<hbm>> -> memref<1x32xi32, #tpu.memory_space<hbm>>
      %dma_wait3A_64 = tpu.memref_squeeze %dma_wait3A_63 : memref<1x32xi32, #tpu.memory_space<hbm>> -> memref<32xi32, #tpu.memory_space<hbm>>
      tpu.wait_dma2 semaphore(%run_scoped3A : memref<!tpu.dma_semaphore, #tpu.memory_space<semaphore_mem>>) src(%arg6 : memref<32xi32, #tpu.memory_space<vmem>>) dst(%dma_wait3A_64 : memref<32xi32, #tpu.memory_space<hbm>>)
      tpu.yield
    }) : () -> ()
    return
  }
}

module attributes {stable_mosaic.version = 14 : i64} {
  func.func @_scores_body(%arg0: i32, %arg1: memref<64x8192xf32, #tpu.memory_space<vmem>>, %arg2: memref<1x1x8192xf32, #tpu.memory_space<vmem>>, %arg3: memref<32x1024xf32, #tpu.memory_space<vmem>>, %arg4: memref<32x2xf32, #tpu.memory_space<vmem>>, %arg5: memref<2x128xf32, #tpu.memory_space<vmem>>, %arg6: memref<1x128xf32, #tpu.memory_space<vmem>>, %arg7: memref<128x64xf32, #tpu.memory_space<vmem>>, %arg8: memref<1x64xf32, #tpu.memory_space<vmem>>, %arg9: memref<1088x64xf32, #tpu.memory_space<vmem>>, %arg10: memref<64x1xf32, #tpu.memory_space<vmem>>, %arg11: memref<256x64xf32, #tpu.memory_space<vmem>>, %arg12: memref<64x1xf32, #tpu.memory_space<vmem>>, %arg13: memref<64x1xf32, #tpu.memory_space<vmem>>, %arg14: memref<1x1x8192xf32, #tpu.memory_space<vmem>>, %arg15: memref<64x32xf32, #tpu.memory_space<vmem>>, %arg16: memref<64x32xf32, #tpu.memory_space<vmem>>, %arg17: memref<64x8192xf32, #tpu.memory_space<vmem>>, %arg18: memref<128x64xf32, #tpu.memory_space<vmem>>) attributes {dimension_semantics = [#tpu.dimension_semantics<arbitrary>], iteration_bounds = array<i64: 32>, scalar_prefetch = 0 : i64, scratch_operands = 4 : i64, tpu.core_type = #tpu.core_type<tc>, window_params = [{pipeline_mode = #tpu.pipeline_mode<synchronous>, transform_indices = @transform_0, window_bounds = array<i64: 64, 8192>}, {transform_indices = @transform_1, window_bounds = array<i64: 1, 1, 8192>}, {pipeline_mode = #tpu.pipeline_mode<synchronous>, transform_indices = @transform_2, window_bounds = array<i64: 32, 1024>}, {pipeline_mode = #tpu.pipeline_mode<synchronous>, transform_indices = @transform_3, window_bounds = array<i64: 32, 2>}, {pipeline_mode = #tpu.pipeline_mode<synchronous>, transform_indices = @transform_4, window_bounds = array<i64: 2, 128>}, {pipeline_mode = #tpu.pipeline_mode<synchronous>, transform_indices = @transform_5, window_bounds = array<i64: 1, 128>}, {pipeline_mode = #tpu.pipeline_mode<synchronous>, transform_indices = @transform_6, window_bounds = array<i64: 128, 64>}, {pipeline_mode = #tpu.pipeline_mode<synchronous>, transform_indices = @transform_7, window_bounds = array<i64: 1, 64>}, {pipeline_mode = #tpu.pipeline_mode<synchronous>, transform_indices = @transform_8, window_bounds = array<i64: 1088, 64>}, {pipeline_mode = #tpu.pipeline_mode<synchronous>, transform_indices = @transform_9, window_bounds = array<i64: 64, 1>}, {pipeline_mode = #tpu.pipeline_mode<synchronous>, transform_indices = @transform_10, window_bounds = array<i64: 256, 64>}, {pipeline_mode = #tpu.pipeline_mode<synchronous>, transform_indices = @transform_11, window_bounds = array<i64: 64, 1>}, {pipeline_mode = #tpu.pipeline_mode<synchronous>, transform_indices = @transform_12, window_bounds = array<i64: 64, 1>}, {transform_indices = @transform_13, window_bounds = array<i64: 1, 1, 8192>}]} {
    %eq3A = arith.constant 0 : i32
    %eq3A_0 = arith.cmpi eq, %arg0, %eq3A : i32
    %convert_element_type3A = arith.extui %eq3A_0 : i1 to i32
    %cond3A = arith.constant 0 : i32
    %cond3A_1 = arith.cmpi ne, %convert_element_type3A, %cond3A : i32
    scf.if %cond3A_1 {
      %get3A_52 = arith.constant 0 : index
      %get3A_53 = arith.constant 0 : index
      %get3A_54 = vector.load %arg4[%get3A_52, %get3A_53] : memref<32x2xf32, #tpu.memory_space<vmem>>, vector<32x2xf32>
      %get3A_55 = arith.constant 0 : index
      %get3A_56 = arith.constant 0 : index
      %get3A_57 = vector.load %arg5[%get3A_55, %get3A_56] : memref<2x128xf32, #tpu.memory_space<vmem>>, vector<2x128xf32>
      %dot_general3A_58 = arith.constant dense<0.000000e+00> : vector<32x128xf32>
      %dot_general3A_59 = tpu.matmul %get3A_54, %get3A_57, %dot_general3A_58 {dimension_numbers = #tpu.dot_dimension_numbers<[1], [0], [0], [1], [0, 0, 1, 1], [], []>, transpose_lhs_hint = false} : vector<32x2xf32>, vector<2x128xf32>, vector<32x128xf32> -> vector<32x128xf32>
      %get3A_60 = arith.constant 0 : index
      %get3A_61 = arith.constant 0 : index
      %get3A_62 = vector.load %arg6[%get3A_60, %get3A_61] : memref<1x128xf32, #tpu.memory_space<vmem>>, vector<1x128xf32>
      %add3A_63 = vector.broadcast %get3A_62 : vector<1x128xf32> to vector<32x128xf32>
      %add3A_64 = arith.addf %dot_general3A_59, %add3A_63 : vector<32x128xf32>
      %max3A_65 = arith.constant 0.000000e+00 : f32
      %max3A_66 = vector.broadcast %max3A_65 : f32 to vector<32x128xf32>
      %max3A_67 = arith.maximumf %add3A_64, %max3A_66 : vector<32x128xf32>
      %get3A_68 = arith.constant 0 : index
      %get3A_69 = arith.constant 0 : index
      %get3A_70 = vector.load %arg7[%get3A_68, %get3A_69] : memref<128x64xf32, #tpu.memory_space<vmem>>, vector<128x64xf32>
      %dot_general3A_71 = arith.constant dense<0.000000e+00> : vector<32x64xf32>
      %dot_general3A_72 = tpu.matmul %max3A_67, %get3A_70, %dot_general3A_71 {dimension_numbers = #tpu.dot_dimension_numbers<[1], [0], [0], [1], [0, 0, 1, 1], [], []>, transpose_lhs_hint = false} : vector<32x128xf32>, vector<128x64xf32>, vector<32x64xf32> -> vector<32x64xf32>
      %get3A_73 = arith.constant 0 : index
      %get3A_74 = arith.constant 0 : index
      %get3A_75 = vector.load %arg8[%get3A_73, %get3A_74] : memref<1x64xf32, #tpu.memory_space<vmem>>, vector<1x64xf32>
      %add3A_76 = vector.broadcast %get3A_75 : vector<1x64xf32> to vector<32x64xf32>
      %add3A_77 = arith.addf %dot_general3A_72, %add3A_76 : vector<32x64xf32>
      %get3A_78 = arith.constant 0 : index
      %get3A_79 = arith.constant 0 : index
      %get3A_80 = vector.load %arg3[%get3A_78, %get3A_79] : memref<32x1024xf32, #tpu.memory_space<vmem>>, vector<32x1024xf32>
      %concatenate3A_81 = tpu.concatenate %get3A_80, %add3A_77 in 1 : vector<32x1024xf32>, vector<32x64xf32> -> vector<32x1088xf32>
      %get3A_82 = arith.constant 0 : index
      %get3A_83 = arith.constant 0 : index
      %get3A_84 = vector.load %arg9[%get3A_82, %get3A_83] : memref<1088x64xf32, #tpu.memory_space<vmem>>, vector<1088x64xf32>
      %dot_general3A_85 = arith.constant dense<0.000000e+00> : vector<64x32xf32>
      %dot_general3A_86 = tpu.matmul %get3A_84, %concatenate3A_81, %dot_general3A_85 {dimension_numbers = #tpu.dot_dimension_numbers<[0], [1], [1], [0], [0, 1, 1, 0], [], []>, transpose_lhs_hint = false} : vector<1088x64xf32>, vector<32x1088xf32>, vector<64x32xf32> -> vector<64x32xf32>
      %get3A_87 = arith.constant 0 : index
      %get3A_88 = arith.constant 0 : index
      %get3A_89 = vector.load %arg10[%get3A_87, %get3A_88] : memref<64x1xf32, #tpu.memory_space<vmem>>, vector<64x1xf32>
      %add3A_90 = vector.broadcast %get3A_89 : vector<64x1xf32> to vector<64x32xf32>
      %add3A_91 = arith.addf %dot_general3A_86, %add3A_90 : vector<64x32xf32>
      %swap3A_92 = arith.constant 0 : index
      %swap3A_93 = arith.constant 0 : index
      %swap3A_94 = vector.load %arg15[%swap3A_92, %swap3A_93] : memref<64x32xf32, #tpu.memory_space<vmem>>, vector<64x32xf32>
      tpu.vector_store %arg15[%swap3A_92, %swap3A_93], %add3A_91 {strides = array<i32>} : memref<64x32xf32, #tpu.memory_space<vmem>>, vector<64x32xf32>,
      %get3A_95 = arith.constant 0 : index
      %get3A_96 = arith.constant 0 : index
      %get3A_97 = vector.load %arg11[%get3A_95, %get3A_96] : memref<256x64xf32, #tpu.memory_space<vmem>>, vector<64x64xf32>
      %dot_general3A_98 = arith.constant dense<0.000000e+00> : vector<64x32xf32>
      %dot_general3A_99 = tpu.matmul %get3A_97, %add3A_91, %dot_general3A_98 {dimension_numbers = #tpu.dot_dimension_numbers<[0], [0], [1], [1], [0, 1, 1, 1], [], []>, transpose_lhs_hint = false} : vector<64x64xf32>, vector<64x32xf32>, vector<64x32xf32> -> vector<64x32xf32>
      %get3A_100 = arith.constant 0 : index
      %get3A_101 = arith.constant 0 : index
      %get3A_102 = vector.load %arg12[%get3A_100, %get3A_101] : memref<64x1xf32, #tpu.memory_space<vmem>>, vector<64x1xf32>
      %add3A_103 = vector.broadcast %get3A_102 : vector<64x1xf32> to vector<64x32xf32>
      %add3A_104 = arith.addf %dot_general3A_99, %add3A_103 : vector<64x32xf32>
      %swap3A_105 = arith.constant 0 : index
      %swap3A_106 = arith.constant 0 : index
      %swap3A_107 = vector.load %arg16[%swap3A_105, %swap3A_106] : memref<64x32xf32, #tpu.memory_space<vmem>>, vector<64x32xf32>
      tpu.vector_store %arg16[%swap3A_105, %swap3A_106], %add3A_104 {strides = array<i32>} : memref<64x32xf32, #tpu.memory_space<vmem>>, vector<64x32xf32>,
      %get3A_108 = arith.constant 64 : index
      %get3A_109 = arith.constant 0 : index
      %get3A_110 = vector.load %arg11[%get3A_108, %get3A_109] : memref<256x64xf32, #tpu.memory_space<vmem>>, vector<64x64xf32>
      %get3A_111 = arith.constant 0 : index
      %get3A_112 = arith.constant 0 : index
      %get3A_113 = vector.load %arg1[%get3A_111, %get3A_112] : memref<64x8192xf32, #tpu.memory_space<vmem>>, vector<64x8192xf32>
      %dot_general3A_114 = arith.constant dense<0.000000e+00> : vector<64x8192xf32>
      %dot_general3A_115 = tpu.matmul %get3A_110, %get3A_113, %dot_general3A_114 {dimension_numbers = #tpu.dot_dimension_numbers<[0], [0], [1], [1], [0, 1, 1, 1], [], []>, transpose_lhs_hint = false} : vector<64x64xf32>, vector<64x8192xf32>, vector<64x8192xf32> -> vector<64x8192xf32>
      %swap3A_116 = arith.constant 0 : index
      %swap3A_117 = arith.constant 0 : index
      %swap3A_118 = vector.load %arg17[%swap3A_116, %swap3A_117] : memref<64x8192xf32, #tpu.memory_space<vmem>>, vector<64x8192xf32>
      tpu.vector_store %arg17[%swap3A_116, %swap3A_117], %dot_general3A_115 {strides = array<i32>} : memref<64x8192xf32, #tpu.memory_space<vmem>>, vector<64x8192xf32>,
      %get3A_119 = arith.constant 128 : index
      %get3A_120 = arith.constant 0 : index
      %get3A_121 = vector.load %arg11[%get3A_119, %get3A_120] : memref<256x64xf32, #tpu.memory_space<vmem>>, vector<64x64xf32>
      %get3A_122 = arith.constant 192 : index
      %get3A_123 = arith.constant 0 : index
      %get3A_124 = vector.load %arg11[%get3A_122, %get3A_123] : memref<256x64xf32, #tpu.memory_space<vmem>>, vector<64x64xf32>
      %concatenate3A_125 = tpu.concatenate %get3A_121, %get3A_124 in 0 : vector<64x64xf32>, vector<64x64xf32> -> vector<128x64xf32>
      %swap3A_126 = arith.constant 0 : index
      %swap3A_127 = arith.constant 0 : index
      %swap3A_128 = vector.load %arg18[%swap3A_126, %swap3A_127] : memref<128x64xf32, #tpu.memory_space<vmem>>, vector<128x64xf32>
      tpu.vector_store %arg18[%swap3A_126, %swap3A_127], %concatenate3A_125 {strides = array<i32>} : memref<128x64xf32, #tpu.memory_space<vmem>>, vector<128x64xf32>,
    } else {
    }
    %iota3A = tpu.iota {dimensions = array<i32: 1>} : vector<64x32xi32>
    %eq3A_2 = vector.broadcast %arg0 : i32 to vector<64x32xi32>
    %eq3A_3 = arith.cmpi eq, %iota3A, %eq3A_2 : vector<64x32xi32>
    %get3A = arith.constant 0 : index
    %get3A_4 = arith.constant 0 : index
    %get3A_5 = vector.load %arg15[%get3A, %get3A_4] : memref<64x32xf32, #tpu.memory_space<vmem>>, vector<64x32xf32>
    %jit3A = arith.constant 0.000000e+00 : f32
    %broadcast_in_dim3A = vector.broadcast %jit3A : f32 to vector<64x32xf32>
    %select_n3A = arith.select %eq3A_3, %get3A_5, %broadcast_in_dim3A : vector<64x32xi1>, vector<64x32xf32>
    %reduce_sum3A = arith.constant dense<0.000000e+00> : vector<64xf32>
    %reduce_sum3A_6 = vector.multi_reduction <add>, %select_n3A, %reduce_sum3A [1] : vector<64x32xf32> to vector<64xf32>
    %broadcast_in_dim3A_7 = vector.shape_cast %reduce_sum3A_6 : vector<64xf32> to vector<64x1xf32>
    %get3A_8 = arith.constant 0 : index
    %get3A_9 = arith.constant 0 : index
    %get3A_10 = vector.load %arg16[%get3A_8, %get3A_9] : memref<64x32xf32, #tpu.memory_space<vmem>>, vector<64x32xf32>
    %jit3A_11 = arith.constant 0.000000e+00 : f32
    %broadcast_in_dim3A_12 = vector.broadcast %jit3A_11 : f32 to vector<64x32xf32>
    %select_n3A_13 = arith.select %eq3A_3, %get3A_10, %broadcast_in_dim3A_12 : vector<64x32xi1>, vector<64x32xf32>
    %reduce_sum3A_14 = arith.constant dense<0.000000e+00> : vector<64xf32>
    %reduce_sum3A_15 = vector.multi_reduction <add>, %select_n3A_13, %reduce_sum3A_14 [1] : vector<64x32xf32> to vector<64xf32>
    %broadcast_in_dim3A_16 = vector.shape_cast %reduce_sum3A_15 : vector<64xf32> to vector<64x1xf32>
    %get3A_17 = arith.constant 0 : index
    %get3A_18 = arith.constant 0 : index
    %get3A_19 = vector.load %arg1[%get3A_17, %get3A_18] : memref<64x8192xf32, #tpu.memory_space<vmem>>, vector<64x8192xf32>
    %sub3A = vector.broadcast %broadcast_in_dim3A_7 : vector<64x1xf32> to vector<64x8192xf32>
    %sub3A_20 = arith.subf %sub3A, %get3A_19 : vector<64x8192xf32>
    %get3A_21 = arith.constant 0 : index
    %get3A_22 = arith.constant 0 : index
    %get3A_23 = vector.load %arg1[%get3A_21, %get3A_22] : memref<64x8192xf32, #tpu.memory_space<vmem>>, vector<64x8192xf32>
    %mul3A = vector.broadcast %broadcast_in_dim3A_7 : vector<64x1xf32> to vector<64x8192xf32>
    %mul3A_24 = arith.mulf %mul3A, %get3A_23 : vector<64x8192xf32>
    %concatenate3A = tpu.concatenate %sub3A_20, %mul3A_24 in 0 : vector<64x8192xf32>, vector<64x8192xf32> -> vector<128x8192xf32>
    %get3A_25 = arith.constant 0 : index
    %get3A_26 = arith.constant 0 : index
    %get3A_27 = vector.load %arg18[%get3A_25, %get3A_26] : memref<128x64xf32, #tpu.memory_space<vmem>>, vector<128x64xf32>
    %dot_general3A = arith.constant dense<0.000000e+00> : vector<64x8192xf32>
    %dot_general3A_28 = tpu.matmul %get3A_27, %concatenate3A, %dot_general3A {dimension_numbers = #tpu.dot_dimension_numbers<[0], [0], [1], [1], [0, 1, 1, 1], [], []>, transpose_lhs_hint = false} : vector<128x64xf32>, vector<128x8192xf32>, vector<64x8192xf32> -> vector<64x8192xf32>
    %get3A_29 = arith.constant 0 : index
    %get3A_30 = arith.constant 0 : index
    %get3A_31 = vector.load %arg17[%get3A_29, %get3A_30] : memref<64x8192xf32, #tpu.memory_space<vmem>>, vector<64x8192xf32>
    %add3A = arith.addf %dot_general3A_28, %get3A_31 : vector<64x8192xf32>
    %add3A_32 = vector.broadcast %broadcast_in_dim3A_16 : vector<64x1xf32> to vector<64x8192xf32>
    %add3A_33 = arith.addf %add3A, %add3A_32 : vector<64x8192xf32>
    %max3A = arith.constant 0.000000e+00 : f32
    %max3A_34 = vector.broadcast %max3A : f32 to vector<64x8192xf32>
    %max3A_35 = arith.maximumf %add3A_33, %max3A_34 : vector<64x8192xf32>
    %get3A_36 = arith.constant 0 : index
    %get3A_37 = arith.constant 0 : index
    %get3A_38 = vector.load %arg13[%get3A_36, %get3A_37] : memref<64x1xf32, #tpu.memory_space<vmem>>, vector<64x1xf32>
    %dot_general3A_39 = arith.constant dense<0.000000e+00> : vector<1x8192xf32>
    %dot_general3A_40 = tpu.matmul %get3A_38, %max3A_35, %dot_general3A_39 {dimension_numbers = #tpu.dot_dimension_numbers<[0], [0], [1], [1], [0, 1, 1, 1], [], []>, transpose_lhs_hint = false} : vector<64x1xf32>, vector<64x8192xf32>, vector<1x8192xf32> -> vector<1x8192xf32>
    %get3A_41 = arith.constant 0 : index
    %get3A_42 = arith.constant 0 : index
    %get3A_43 = arith.constant 0 : index
    %get3A_44 = vector.load %arg2[%get3A_41, %get3A_42, %get3A_43] : memref<1x1x8192xf32, #tpu.memory_space<vmem>>, vector<1x1x8192xf32>
    %get3A_45 = vector.shape_cast %get3A_44 : vector<1x1x8192xf32> to vector<1x8192xf32>
    %add3A_46 = arith.addf %dot_general3A_40, %get3A_45 : vector<1x8192xf32>
    %swap3A = arith.constant 0 : index
    %swap3A_47 = arith.constant 0 : index
    %swap3A_48 = arith.constant 0 : index
    %swap3A_49 = vector.load %arg14[%swap3A, %swap3A_47, %swap3A_48] : memref<1x1x8192xf32, #tpu.memory_space<vmem>>, vector<1x1x8192xf32>
    %swap3A_50 = vector.shape_cast %swap3A_49 : vector<1x1x8192xf32> to vector<1x8192xf32>
    %swap3A_51 = vector.shape_cast %add3A_46 : vector<1x8192xf32> to vector<1x1x8192xf32>
    tpu.vector_store %arg14[%swap3A, %swap3A_47, %swap3A_48], %swap3A_51 {strides = array<i32>} : memref<1x1x8192xf32, #tpu.memory_space<vmem>>, vector<1x1x8192xf32>,
    return
  }
  func.func @transform_0(%arg0: i32) -> (i32, i32) {
    %c0_i32 = arith.constant 0 : i32
    %c0_i32_0 = arith.constant 0 : i32
    %c0_i32_1 = arith.constant 0 : i32
    return %c0_i32, %c0_i32_0 : i32, i32
  }
  func.func @transform_1(%arg0: i32) -> (i32, i32, i32) {
    %c0_i32 = arith.constant 0 : i32
    %c0_i32_0 = arith.constant 0 : i32
    %c0_i32_1 = arith.constant 0 : i32
    return %arg0, %c0_i32, %c0_i32_0 : i32, i32, i32
  }
  func.func @transform_2(%arg0: i32) -> (i32, i32) {
    %c0_i32 = arith.constant 0 : i32
    %c0_i32_0 = arith.constant 0 : i32
    %c0_i32_1 = arith.constant 0 : i32
    return %c0_i32, %c0_i32_0 : i32, i32
  }
  func.func @transform_3(%arg0: i32) -> (i32, i32) {
    %c0_i32 = arith.constant 0 : i32
    %c0_i32_0 = arith.constant 0 : i32
    %c0_i32_1 = arith.constant 0 : i32
    return %c0_i32, %c0_i32_0 : i32, i32
  }
  func.func @transform_4(%arg0: i32) -> (i32, i32) {
    %c0_i32 = arith.constant 0 : i32
    %c0_i32_0 = arith.constant 0 : i32
    %c0_i32_1 = arith.constant 0 : i32
    return %c0_i32, %c0_i32_0 : i32, i32
  }
  func.func @transform_5(%arg0: i32) -> (i32, i32) {
    %c0_i32 = arith.constant 0 : i32
    %c0_i32_0 = arith.constant 0 : i32
    %c0_i32_1 = arith.constant 0 : i32
    return %c0_i32, %c0_i32_0 : i32, i32
  }
  func.func @transform_6(%arg0: i32) -> (i32, i32) {
    %c0_i32 = arith.constant 0 : i32
    %c0_i32_0 = arith.constant 0 : i32
    %c0_i32_1 = arith.constant 0 : i32
    return %c0_i32, %c0_i32_0 : i32, i32
  }
  func.func @transform_7(%arg0: i32) -> (i32, i32) {
    %c0_i32 = arith.constant 0 : i32
    %c0_i32_0 = arith.constant 0 : i32
    %c0_i32_1 = arith.constant 0 : i32
    return %c0_i32, %c0_i32_0 : i32, i32
  }
  func.func @transform_8(%arg0: i32) -> (i32, i32) {
    %c0_i32 = arith.constant 0 : i32
    %c0_i32_0 = arith.constant 0 : i32
    %c0_i32_1 = arith.constant 0 : i32
    return %c0_i32, %c0_i32_0 : i32, i32
  }
  func.func @transform_9(%arg0: i32) -> (i32, i32) {
    %c0_i32 = arith.constant 0 : i32
    %c0_i32_0 = arith.constant 0 : i32
    %c0_i32_1 = arith.constant 0 : i32
    return %c0_i32, %c0_i32_0 : i32, i32
  }
  func.func @transform_10(%arg0: i32) -> (i32, i32) {
    %c0_i32 = arith.constant 0 : i32
    %c0_i32_0 = arith.constant 0 : i32
    %c0_i32_1 = arith.constant 0 : i32
    return %c0_i32, %c0_i32_0 : i32, i32
  }
  func.func @transform_11(%arg0: i32) -> (i32, i32) {
    %c0_i32 = arith.constant 0 : i32
    %c0_i32_0 = arith.constant 0 : i32
    %c0_i32_1 = arith.constant 0 : i32
    return %c0_i32, %c0_i32_0 : i32, i32
  }
  func.func @transform_12(%arg0: i32) -> (i32, i32) {
    %c0_i32 = arith.constant 0 : i32
    %c0_i32_0 = arith.constant 0 : i32
    %c0_i32_1 = arith.constant 0 : i32
    return %c0_i32, %c0_i32_0 : i32, i32
  }
  func.func @transform_13(%arg0: i32) -> (i32, i32, i32) {
    %c0_i32 = arith.constant 0 : i32
    %c0_i32_0 = arith.constant 0 : i32
    %c0_i32_1 = arith.constant 0 : i32
    return %arg0, %c0_i32, %c0_i32_0 : i32, i32, i32
  }
}

</mosaic_0001>

<sc_bundles>
// kernel: kernel.4.cloned.1.call-start
scs
__scs_entry_jumppad:
0x0: {  	(pc) =	sbr.rel $0x88, $3  }
0x1: {  	(tag) =	ssettag $0x0;
	lr =	simm.s32 $0x1  }
0x2: {  	[smem:$0x3F94] =	sst lr;
	_ =	strace $0xD0000000  }
0x3: {  	_ = 	snop  }
0x4: {  	_ = 	snop  }
0x5: {  	_ = 	snop  }
0x6: {  	_ = 	snop  }
0x7: {  	_ = 	snop  }
__scs_overlays_trampoline_lowered:
0x8: {  	[smem:$0x3FA3] =	sst s0  }
0x9: {  	[smem:$0x3FA4] =	sst s1  }
0xa: {  	[smem:$0x3FA5] =	sst s2  }
0xb: {  	[smem:$0x3FA6] =	sst s3  }
0xc: {  	[smem:$0x3FA7] =	sst s4  }
0xd: {  	[smem:$0x3FA8] =	sst s5  }
0xe: {  	[smem:$0x3FA9] =	sst s6  }
0xf: {  	[smem:$0x3FAA] =	sst s7  }
0x10: {  	[smem:$0x3FAB] =	sst s8  }
0x11: {  	[smem:$0x3FAC] =	sst s9;
	s0 =	simm.s32 @!p0 $0x0  }
0x12: {  	s1 =	sld [smem:$0x3F92];
	s0 =	simm.s32 @p0 $0x1  }
0x13: {  	[smem:$0x3FAD] =	sst s0;
	s0 =	simm.s32 @!p1 $0x0  }
0x14: {  	s2 =	sld [smem:$0x3F91];
	s0 =	simm.s32 @p1 $0x1  }
0x15: {  	[smem:$0x3FAE] =	sst s0;
	s0 =	simm.s32 @!p2 $0x0  }
0x16: {  	s3 =	sld [smem:$0x3FDB];
	s0 =	simm.s32 @p2 $0x1  }
0x17: {  	s4 =	simm.s32 $0x1BF5;
	[smem:$0x3FB0] =	sst s0  }
0x18: {  	s0 =	sld [smem:$0x3F93];
	_ =	swait.ge [sflag:s4], $0x0  }
0x19: {  	s7 =	sld [smem:$0x3F94]  }
0x1a: {  	s8 =	sadd.s32 $0xFFFFE003, lr  }
0x1b: {  	s9 =	sadd.s32 $0xFFFFFEF7, lr;
	s5 =	simm.s32 $0xFFFFFFFF;
	p2 =	slt.u32 s8, $0xFFFFF086  }
0x1c: {  	p1 =	slt.u32 s9, $0xF7A;
	s5 =	simm.s32 @!p2 $0x0  }
0x1d: {  	s5 =	simm.s32 @p1 $0x1;
	p0 =	seq.s32 s7, s2  }
0x1e: {  	s7 =	smul.u32 @!p0 $0xF7A, s2;
	p2 =	seq.s32 @!p0 s5, $0x0  }
0x1f: {  	s9 =	smul.u32 $0xF7A, s1;
	s8 =	simm.s32 @!p0 $0x1BF5;
	p2 =	por !p2, p0  }
0x20: {  	[sflag:s8] =	ssyncset.s32 @!p0 $0xFFFFF086;
	s6 =	sadd.s32 @!p0 s3, s7;
	s7 =	simm.s32 @!p0 $0x108  }
0x21: {  	s3 =	sadd.s32 s3, s9;
	s6 =	sadd.s32 @!p0 $0x88, s6;
	s7 =	simm.s32 @p2 $0x1082  }
0x22: {  	[simem:s7], [sflag:s8] =	dma.local @!p0 [hbm:s6], $0xF7A  }
0x23: {  	s9 =	sor.u32 $0xD0000000, s2;
	s6 =	simm.s32 $0x108;
	_ =	swait.ge @!p0 [sflag:s8], $0x0  }
0x24: {  	s3 =	sadd.s32 $0x88, s3;
	s6 =	simm.s32 @!p1 $0x1082;
	[sflag:s4] =	ssyncset.s32 $0xFFFFF086  }
0x25: {  	[simem:s6], [sflag:s4] =	dma.local [hbm:s3], $0xF7A  }
0x26: {  	[smem:$0x3F94] =	sst s1;
	(tag) =	ssettag s2;
	_ =	strace s9  }
0x27: {  	s1 =	sld [smem:$0x3FA4]  }
0x28: {  	s2 =	sld [smem:$0x3FA5]  }
0x29: {  	s4 =	sld [smem:$0x3FA7]  }
0x2a: {  	p0 =	seq.s32 s5, $0x0;
	s5 =	sld [smem:$0x3FA8]  }
0x2b: {  	s6 =	sld [smem:$0x3FA9]  }
0x2c: {  	s7 =	sld [smem:$0x3FAA]  }
0x2d: {  	s3 =	simm.s32 $0x108;
	s8 =	sld [smem:$0x3FAB]  }
0x2e: {  	s3 =	simm.s32 @!p0 $0x1082;
	s9 =	sld [smem:$0x3FAC]  }
0x2f: {  	lr =	sadd.s32 s0, s3;
	s0 =	sld [smem:$0x3FA3]  }
0x30: {  	s3 =	sld [smem:$0x3FA6]  }
0x31: {  	[smem:$0x3FAF] =	sst s10  }
0x32: {  	s10 =	sld [smem:$0x3FAD];
	_ =	sdelay $0x3  }
0x33: {  	p0 =	seq.s32 s10, $0x1;
	s10 =	sld [smem:$0x3FAF];
	_ =	sdelay $0x3  }
0x34: {  	[smem:$0x3FAF] =	sst s10  }
0x35: {  	s10 =	sld [smem:$0x3FAE];
	_ =	sdelay $0x3  }
0x36: {  	p1 =	seq.s32 s10, $0x1;
	s10 =	sld [smem:$0x3FAF];
	_ =	sdelay $0x3  }
0x37: {  	[smem:$0x3FAF] =	sst s10  }
0x38: {  	s10 =	sld [smem:$0x3FB0]  }
0x39: {  	_ = 	snop;
	(pc) =	sbr.ind lr, $3  }
0x3a: {  	_ = 	snop  }
0x3b: {  	_ = 	snop  }
0x3c: {  	p2 =	seq.s32 s10, $0x1;
	s10 =	sld [smem:$0x3FAF]  }
0x3d: {  	_ =	shalt  }
0x3e: {  	_ =	shalt  }
0x3f: {  	_ =	shalt  }
0x40: {  	_ =	shalt  }
0x41: {  	_ =	shalt  }
0x42: {  	_ =	shalt  }
0x43: {  	_ =	shalt  }
0x44: {  	_ =	shalt  }
0x45: {  	_ =	shalt  }
0x46: {  	_ =	shalt  }
0x47: {  	_ =	shalt  }
0x48: {  	_ =	shalt  }
0x49: {  	_ =	shalt  }
0x4a: {  	_ =	shalt  }
0x4b: {  	_ =	shalt  }
0x4c: {  	_ =	shalt  }
0x4d: {  	_ =	shalt  }
0x4e: {  	_ =	shalt  }
0x4f: {  	_ =	shalt  }
0x50: {  	_ =	shalt  }
0x51: {  	_ =	shalt  }
0x52: {  	_ =	shalt  }
0x53: {  	_ =	shalt  }
0x54: {  	_ =	shalt  }
0x55: {  	_ =	shalt  }
0x56: {  	_ =	shalt  }
0x57: {  	_ =	shalt  }
0x58: {  	_ =	shalt  }
0x59: {  	_ =	shalt  }
0x5a: {  	_ =	shalt  }
0x5b: {  	_ =	shalt  }
0x5c: {  	_ =	shalt  }
0x5d: {  	_ =	shalt  }
0x5e: {  	_ =	shalt  }
0x5f: {  	_ =	shalt  }
0x60: {  	_ =	shalt  }
0x61: {  	_ =	shalt  }
0x62: {  	_ =	shalt  }
0x63: {  	_ =	shalt  }
0x64: {  	_ =	shalt  }
0x65: {  	_ =	shalt  }
0x66: {  	_ =	shalt  }
0x67: {  	_ =	shalt  }
0x68: {  	_ =	shalt  }
0x69: {  	_ =	shalt  }
0x6a: {  	_ =	shalt  }
0x6b: {  	_ =	shalt  }
0x6c: {  	_ =	shalt  }
0x6d: {  	_ =	shalt  }
0x6e: {  	_ =	shalt  }
0x6f: {  	_ =	shalt  }
0x70: {  	_ =	shalt  }
0x71: {  	_ =	shalt  }
0x72: {  	_ =	shalt  }
0x73: {  	_ =	shalt  }
0x74: {  	_ =	shalt  }
0x75: {  	_ =	shalt  }
0x76: {  	_ =	shalt  }
0x77: {  	_ =	shalt  }
0x78: {  	_ =	shalt  }
0x79: {  	_ =	shalt  }
0x7a: {  	_ =	shalt  }
0x7b: {  	_ =	shalt  }
0x7c: {  	_ =	shalt  }
0x7d: {  	_ =	shalt  }
0x7e: {  	_ =	shalt  }
0x7f: {  	_ =	shalt  }
0x80: {  	_ =	shalt  }
0x81: {  	_ =	shalt  }
0x82: {  	_ =	shalt  }
0x83: {  	_ =	shalt  }
0x84: {  	_ =	shalt  }
0x85: {  	_ =	shalt  }
0x86: {  	_ =	shalt  }
0x87: {  	_ =	shalt  }
.Lfunc_end0:
.L_simem_size_0:
called_computation_lowered:
.L_overlay_start_0:
0x88: {  	s2 =	sld [smem:$0x3FD9]  }
0x89: {  	s3 =	sld [smem:$0x3FFE];
	_ =	sdelay $0x1  }
0x8a: {  	s1 =	srdreg.scid  }
0x8b: {  	s0 =	sand.u32 $0x1, s1  }
0x8c: {  	s17 =	sshll.u32 s0, $0xA;
	s2 =	sadd.s32 s3, s2  }
0x8d: {  	s2 =	sadd.s32 s2, s17  }
0x8e: {  	[smem:$0x3FBB] =	sst s2  }
0x8f: {  	_ = 	snop  }
0x90: {  	s2 =	sld [smem:$0x3FD0];
	(tm) =	ssettm $0x1  }
0x91: {  	s18 =	sld [smem:$0x3FFB];
	_ =	sdelay $0x3  }
0x92: {  	_ =	strace s18  }
0x93: {  	s3 =	sld [smem:$0x3FFC];
	_ =	sdelay $0x3  }
0x94: {  	_ =	strace s3  }
0x95: {  	s3 =	sld [smem:$0x3FFD];
	_ =	sdelay $0x3  }
0x96: {  	_ =	strace s3  }
0x97: {  	_ =	strace $0x8FFFFFFF  }
0x98: {  	s19 =	sld [smem:$0x3FDB];
	_ =	sdelay $0x1  }
0x99: {  	s4 =	simm.s32 $_scs_section_size  }
0x9a: {  	s5 =	simm.s32 $_size__tile_overlayer_lowered;
	s6 =	simm.s32 $_tile_overlayer_lowered  }
0x9b: {  	s22 =	simm.s32 $0x1BFF;
	s21 =	sshll.u32 s6, $0x1;
	s3 =	sadd.s32 s4, s19  }
0x9c: {  	s7 =	simm.s32 $0x0;
	s20 =	sshll.u32 s5, $0x1;
	s5 =	sadd.s32 s21, s3  }
0x9d: {  	[timem:s7], [sflag:s22] =	dma.local [hbm:s5], s20  }
0x9e: {  	_ =	swait.ge [sflag:s22], s20  }
0x9f: {  	s4 =	ssub.s32 $0x0, s20;
	[sflag:s22] =	ssyncset.done $0x0  }
0xa0: {  	[sflag:s22] =	ssyncadd.s32 s4;
	_ =	sdelay $0x1  }
0xa1: {  	s23 =	simm.s32 $0x1B8B  }
0xa2: {  	_ =	swait.ge [sflag:s23], $0x1  }
0xa3: {  	[sflag:s23] =	ssyncset.done $0x0  }
0xa4: {  	s25 =	simm.s32 $0x1B8E;
	s24 =	sld [smem:$0x3FFE];
	[sflag:s23] =	ssyncadd.s32 $0xFFFFFFFF  }
0xa5: {  	s26 =	simm.s32 $execute0_lowered;
	[smem:$0x3FD2] =	sst s25  }
0xa6: {  	s5 =	sshll.u32 s26, $0x1;
	_ =	strace $0x80000046;
	[dreg:$0x1] =	wrdreg $0xFFFFFFFF  }
0xa7: {  	s28 =	simm.s32 $_size_execute0_lowered;
	s3 =	sadd.s32 s3, s5;
	[dreg:$0x0] =	wrdreg $0x0  }
0xa8: {  	s5 =	sshll.u32 s28, $0x1;
	[dreg:$0x2] =	wrdreg s3  }
0xa9: {  	[dreg:$0x3] =	wrdreg s5  }
0xaa: {  	[dreg:$0x4] =	wrdreg $0xC0  }
0xab: {  	_ =	task [dreg:s7], $0x5FFFF  }
0xac: {  	[dreg:$0x1] =	wrdreg $0xFFFFFFFF  }
0xad: {  	[dreg:$0x0] =	wrdreg $0x60  }
0xae: {  	[dreg:$0x2] =	wrdreg s24  }
0xaf: {  	[dreg:$0x3] =	wrdreg s2  }
0xb0: {  	[dreg:$0x4] =	wrdreg $0x9  }
0xb1: {  	_ =	task.clear_ibuf [dreg:s7], $0x5FFFF;
	_ =	strace $0x90000046  }
0xb2: {  	s29 =	simm.s32 $0x9;
	_ =	strace $0x80000048  }
0xb3: {  	_ =	swait.ge [sflag:s29], $0x1  }
0xb4: {  	[sflag:s29] =	ssyncadd.s32 $0xFFFFFFFF  }
0xb5: {  	_ =	strace $0x90000048  }
0xb6: {  	_ =	sfence  }
0xb7: {  	s30 =	sld [smem:$0x0];
	_ =	sdelay $0x2  }
0xb8: {  	s31 =	sshll.u32 s1, $0xD;
	s1 =	sshrl.u32 s1, $0x2  }
0xb9: {  	s3 =	sand.u32 $0x4000, s31;
	s1 =	sadd.s32 s1, s30  }
0xba: {  	s0 =	sor.u32 s3, s0;
	s1 =	sshll.u32 s1, $0x11  }
0xbb: {  	s0 =	sor.u32 s1, s0  }
0xbc: {  	s0 =	sadd.s32 $0x8F2B, s0  }
0xbd: {  	[sflag:s0] =	ssyncadd.remote.s32 $0x1  }
0xbe: {  	_ =	sfence.sel $0xFFFF  }
0xbf: {  	[dreg:$0x0] =	wrdreg $0xFFFFFFFF;
	(pc) =	sbr.abs _section_cstart, $3  }
0xc0: {  	[dreg:$0x1] =	wrdreg $0xFFFFFFFF  }
0xc1: {  	_ =	task.clear_ibuf [dreg:s7], $0x2FFFF;
	_ =	strace $0x9FFFFFFF  }
0xc2: {  	(tm) =	ssettm $0x7FFFFFFF  }
0xc3: {  	_ =	shalt  }
tec
execute0_lowered:
.L_overlay_start_1:
0x0: {  	(tag) =	ssettag $0x1  }
0x1: {  	s3 =	rddreg [dreg:$0x0]  }
0x2: {  	s4 =	rddreg [dreg:$0x1]  }
0x3: {  	s0 =	rddreg [dreg:$0x2]  }
0x4: {  	s2 =	simm.s32 $0x0;
	s5 =	srdreg.scid;
	s1 =	stileid.u32  }
0x5: {  	s10 =	simm.s32 $0x2;
	s11 =	simm.s32 $0x0;
	[smem:$0x7FF] =	sst s2  }
0x6: {  	s5 =	sand.u32 $0x1, s5;
	s6 =	sshll.u32 s1, $0x8;
	s7 =	sshrl.u32 s1, $0x2  }
0x7: {  	s8 =	sshll.u32 s5, $0x7;
	s6 =	sand.u32 $0x300, s6;
	_ =	strace $0x80000047  }
0x8: {  	s31 =	sshll.u32 s7, $0x10;
	s5 =	ssub.s32 $0x2, s5;
	s6 =	sor.u32 s8, s6  }
0x9: {  	s7 =	sshll.u32 s7, $0xA;
	s9 =	sshrl.u32 s5, $0x1;
	s8 =	sor.u32 s31, s6  }
0xa: {  	v0 =	vlaneseq.u32;
	s6 =	sor.u32 s7, s6;
	s5 =	ssub.s32 s5, s9;
	s7 =	simm.s32 $0x1  }
0xb: {  	v1 =	vmul.u32 $0x10, v0;
	v6 =	vmul.u32 $0xFFFFFFFF, v0;
	s9 =	simm.s32 $0x2200;
	s8 =	sshrl.u32 s8, $0x3;
	s6 =	sshrl.u32 s6, $0x3  }
0xc: {  	v2 =	vor.u32 $0x80000000, v0;
	v4 =	vor.u32 $0x80000010, v0;
	s5 =	smax.u32 s5, $0x1;
	s3 =	sadd.s32 s8, s3;
	s4 =	sadd.s32 s4, s6  }
0xd: {  	v5 =	vor.u32 $0x10, v0;
	v3 =	vor.u32 $0x100, v1;
	v6 =	vadd.s32 $0xF, v6;
	s6 =	simm.s32 $0x400;
	s8 =	simm.s32 $0x2000;
	s3 =	sadd.s32 $0xE00, s3  }
.LBB2_1:
0xe: {  	s12 =	simm.s32 $0x80  }
0xf: {  	[tilespmem:s2], [sflag:$0x1] =	stream.strided.gather [hbm4b:s3+s12], $0x2000, s6, s12, $0x38;
	[tilespmem:$0x2280] =	vst v63  }
0x10: {  	_ =	swait.ge [sflag:s7], $0x2000  }
0x11: {  	[sflag:s7] =	ssyncset.done $0x0  }
0x12: {  	[sflag:s7] =	ssyncadd.s32 $0xFFFFE000  }
0x13: {  	v7 =	vld [tilespmem:s12+$0xFFFFFF90]  }
0x14: {  	s14 =	simm.s32 $0x40;
	s13 =	simm.s32 $0x0;
	v8 =	vld [tilespmem:s12+$0xFFFFFF80]  }
.LBB2_2:
0x15: {  	p0 =	sne.s32 s14, $0x7C0;
	v9 =	vld [tilespmem:s12+$0xFFFFFFA0]  }
0x16: {  	v10 =	vld [tilespmem:s12+$0xFFFFFFB0]  }
0x17: {  	v11 =	vld [tilespmem:s12+$0xFFFFFFC0]  }
0x18: {  	v12 =	vld [tilespmem:s12+$0xFFFFFFD0]  }
0x19: {  	v7 =	vmax.f32 v8, v7;
	v8 =	vld [tilespmem:s12+$0xFFFFFFE0]  }
0x1a: {  	v7 =	vmax.f32 v7, v9;
	v9 =	vld [tilespmem:s12+$0xFFFFFFF0]  }
0x1b: {  	v7 =	vmax.f32 v7, v10;
	v10 =	vld [tilespmem:s12+$0x0]  }
0x1c: {  	v7 =	vmax.f32 v7, v11;
	v11 =	vld [tilespmem:s12+$0x10]  }
0x1d: {  	v7 =	vmax.f32 v7, v12;
	v12 =	vld [tilespmem:s12+$0x20]  }
0x1e: {  	v7 =	vmax.f32 v7, v8;
	v8 =	vld [tilespmem:s12+$0x30]  }
0x1f: {  	v7 =	vmax.f32 v7, v9;
	v9 =	vld [tilespmem:s12+$0x40]  }
0x20: {  	v7 =	vmax.f32 v7, v10;
	v10 =	vld [tilespmem:s12+$0x50]  }
0x21: {  	v7 =	vmax.f32 v7, v11;
	v11 =	vld [tilespmem:s12+$0x60]  }
0x22: {  	v7 =	vmax.f32 v7, v12;
	v12 =	vld [tilespmem:s12+$0x70]  }
0x23: {  	v7 =	vmax.f32 v7, v8  }
0x24: {  	v7 =	vmax.f32 v7, v9  }
0x25: {  	v7 =	vmax.f32 v7, v10  }
.Ltmp0:
0x26: {  	v7 =	vmax.f32 v7, v11;
	(pc) =	sbr.rel @p0 .LBB2_2-.Ltmp0, $4  }
0x27: {  	s15 =	sshra.s32 s13, $0x2;
	s13 =	smov.u32 s14;
	v7 =	vmax.f32 v7, v12  }
0x28: {  	s12 =	sadd.s32 $0x100, s12;
	[tilespmem:s15+$0x2000] =	vst v7  }
0x29: {  	v7 =	vld [tilespmem:s12+$0xFFFFFF90]  }
0x2a: {  	s14 =	sadd.s32 $0x40, s14;
	v8 =	vld [tilespmem:s12+$0xFFFFFF80]  }
0x2b: {  	v9 =	vld [tilespmem:s12+$0xFFFFFFA0]  }
0x2c: {  	v10 =	vld [tilespmem:s12+$0xFFFFFFB0]  }
0x2d: {  	v11 =	vld [tilespmem:s12+$0xFFFFFFC0]  }
0x2e: {  	v12 =	vld [tilespmem:s12+$0xFFFFFFD0]  }
0x2f: {  	v7 =	vmax.f32 v8, v7;
	v8 =	vld [tilespmem:s12+$0xFFFFFFE0]  }
0x30: {  	v56 =	vld [tilespmem:s12+$0xFFFFFFF0];
	v7 =	vmax.f32 v7, v9  }
0x31: {  	v57 =	vld [tilespmem:s12+$0x0];
	v7 =	vmax.f32 v7, v10  }
0x32: {  	v58 =	vld [tilespmem:s12+$0x10];
	v7 =	vmax.f32 v7, v11  }
0x33: {  	v59 =	vld [tilespmem:s12+$0x20];
	v7 =	vmax.f32 v7, v12  }
0x34: {  	v7 =	vmax.f32 v7, v8;
	v8 =	vld [tilespmem:s12+$0x30]  }
0x35: {  	v60 =	vld [tilespmem:s12+$0x40];
	v7 =	vmax.f32 v7, v56  }
0x36: {  	v61 =	vld [tilespmem:s12+$0x50];
	v7 =	vmax.f32 v7, v57  }
0x37: {  	v62 =	vld [tilespmem:s12+$0x60];
	v7 =	vmax.f32 v7, v58  }
0x38: {  	v63 =	vld [tilespmem:s12+$0x70];
	v7 =	vmax.f32 v7, v59  }
0x39: {  	v7 =	vmax.f32 v7, v8  }
0x3a: {  	v7 =	vmax.f32 v7, v60  }
0x3b: {  	v7 =	vmax.f32 v7, v61  }
0x3c: {  	v7 =	vmax.f32 v7, v62  }
0x3d: {  	s31 =	sshra.s32 s13, $0x2;
	v7 =	vmax.f32 v7, v63  }
0x3e: {  	s12 =	simm.s32 $0x1;
	[tilespmem:s31+$0x2000] =	vst v7  }
.LBB2_4:
0x3f: {  	v7 =	vld [tilespmem:$0x2000]  }
0x40: {  	v8 =	vld [tilespmem:$0x2010]  }
0x41: {  	v9 =	vld [tilespmem:$0x2020]  }
0x42: {  	v10 =	vld [tilespmem:$0x2030]  }
0x43: {  	v11 =	vld [tilespmem:$0x2040]  }
0x44: {  	v12 =	vld [tilespmem:$0x2050]  }
0x45: {  	v7 =	vmax.f32 v7, v8;
	v8 =	vld [tilespmem:$0x2060]  }
0x46: {  	v30 =	vld [tilespmem:$0x2070];
	v7 =	vmax.f32 v7, v9  }
0x47: {  	v31 =	vld [tilespmem:$0x2080];
	v7 =	vmax.f32 v7, v10  }
0x48: {  	v32 =	vld [tilespmem:$0x2090];
	v7 =	vmax.f32 v7, v11  }
0x49: {  	v33 =	vld [tilespmem:$0x20A0];
	v7 =	vmax.f32 v7, v12  }
0x4a: {  	v7 =	vmax.f32 v7, v8;
	v8 =	vld [tilespmem:$0x20B0]  }
0x4b: {  	v34 =	vld [tilespmem:$0x20C0];
	v7 =	vmax.f32 v7, v30  }
0x4c: {  	v35 =	vld [tilespmem:$0x20D0];
	v7 =	vmax.f32 v7, v31  }
0x4d: {  	v36 =	vld [tilespmem:$0x20E0];
	v7 =	vmax.f32 v7, v32  }
0x4e: {  	v37 =	vld [tilespmem:$0x20F0];
	v7 =	vmax.f32 v7, v33  }
0x4f: {  	v7 =	vmax.f32 v7, v8;
	v8 =	vld [tilespmem:$0x2100]  }
0x50: {  	v38 =	vld [tilespmem:$0x2110];
	v7 =	vmax.f32 v7, v34  }
0x51: {  	v39 =	vld [tilespmem:$0x2120];
	v7 =	vmax.f32 v7, v35  }
0x52: {  	v40 =	vld [tilespmem:$0x2130];
	v7 =	vmax.f32 v7, v36  }
0x53: {  	v41 =	vld [tilespmem:$0x2140];
	v7 =	vmax.f32 v7, v37  }
0x54: {  	v7 =	vmax.f32 v7, v8;
	v8 =	vld [tilespmem:$0x2150]  }
0x55: {  	v42 =	vld [tilespmem:$0x2160];
	v7 =	vmax.f32 v7, v38  }
0x56: {  	v43 =	vld [tilespmem:$0x2170];
	v7 =	vmax.f32 v7, v39  }
0x57: {  	v44 =	vld [tilespmem:$0x2180];
	v7 =	vmax.f32 v7, v40  }
0x58: {  	v45 =	vld [tilespmem:$0x2190];
	v7 =	vmax.f32 v7, v41  }
0x59: {  	v7 =	vmax.f32 v7, v8;
	v8 =	vld [tilespmem:$0x21A0]  }
0x5a: {  	v46 =	vld [tilespmem:$0x21B0];
	v7 =	vmax.f32 v7, v42  }
0x5b: {  	v47 =	vld [tilespmem:$0x21C0];
	v7 =	vmax.f32 v7, v43  }
0x5c: {  	v48 =	vld [tilespmem:$0x21D0];
	v7 =	vmax.f32 v7, v44  }
0x5d: {  	v49 =	vld [tilespmem:$0x21E0];
	v7 =	vmax.f32 v7, v45  }
0x5e: {  	v7 =	vmax.f32 v7, v8;
	v8 =	vld [tilespmem:$0x21F0]  }
0x5f: {  	v7 =	vmax.f32 v7, v46  }
0x60: {  	v7 =	vmax.f32 v7, v47  }
0x61: {  	v7 =	vmax.f32 v7, v48  }
0x62: {  	v7 =	vmax.f32 v7, v49  }
0x63: {  	v7 =	vmax.f32 v7, v8  }
0x64: {  	(xrf0) =	vmax.scan.msk.f32 $0xffff, v7;
	_ =	sdelay $0x5  }
0x65: {  	v8, _, _ =	vpop (xrf0)  }
0x66: {  	v8 =	vbroadcast v8, $0xF;
	_ =	sdelay $0x1  }
0x67: {  	vm0 =	veq.f32 v7, v8  }
0x68: {  	v7 =	vnsel vm0, $0xC0000000, v2  }
0x69: {  	(xrf0) =	vmin.scan.msk.u32 $0xffff, v7;
	_ =	sdelay $0x5  }
0x6a: {  	v7, _, _ =	vpop (xrf0)  }
0x6b: {  	(v2sf) =	vpush v7, $0xF;
	_ =	sdelay $0xe  }
0x6c: {  	s14 =	spop (v2sf)  }
0x6d: {  	s15 =	sxor.u32 $0x80000000, s14  }
0x6e: {  	v7 =	vadd.s32 s15, v1  }
0x6f: {  	v50 =	vadd.s32 s15, v3;
	_ =	sdelay $0x3  }
0x70: {  	v7 =	vld.idx.msk [tilespmem:v7+s8+$0x0], $0xffff  }
0x71: {  	v9 =	vld.idx.msk [tilespmem:v50+s8+$0x0], $0xffff;
	_ =	sdelay $0x3  }
0x72: {  	vm10 =	veq.f32 v7, v8  }
0x73: {  	vm11 =	veq.f32 v9, v8;
	v7 =	vnsel vm10, $0xC0000000, v2  }
0x74: {  	(xrf0) =	vmin.scan.msk.u32 $0xffff, v7;
	v7 =	vnsel vm11, $0xC0000000, v4  }
0x75: {  	(xrf0) =	vmin.scan.msk.u32 $0xffff, v7;
	_ =	sdelay $0x4  }
0x76: {  	v7, _, _ =	vpop (xrf0)  }
0x77: {  	(v2sf) =	vpush v7, $0xF;
	v7, _, _ =	vpop (xrf0)  }
0x78: {  	(v2sf) =	vpush v7, $0xF;
	_ =	sdelay $0xd  }
0x79: {  	s13 =	spop (v2sf)  }
0x7a: {  	s16 =	spop (v2sf)  }
0x7b: {  	s17 =	sxor.u32 $0x80000000, s13;
	s13 =	sxor.u32 $0x80000000, s16  }
0x7c: {  	p0 =	slt.s32 s17, s13  }
0x7d: {  	s13 =	smov.u32 @p0 s17  }
0x7e: {  	s28 =	sshll.u32 s13, $0x8  }
0x7f: {  	s29 =	sadd.s32 s15, s28  }
0x80: {  	v7 =	vadd.s32 s29, v1;
	_ =	sdelay $0x4  }
0x81: {  	v7 =	vld.idx.msk [tilespmem:v7+s2+$0x0], $0xffff;
	_ =	sdelay $0x4  }
0x82: {  	vm12 =	veq.f32 v7, v8  }
0x83: {  	v7 =	vnsel vm12, $0xC0000000, v2  }
0x84: {  	(xrf0) =	vmin.scan.msk.u32 $0xffff, v7;
	_ =	sdelay $0x5  }
0x85: {  	v7, _, _ =	vpop (xrf0)  }
0x86: {  	(v2sf) =	vpush v7, $0xF;
	_ =	sdelay $0xe  }
0x87: {  	v7 =	vld [tilespmem:$0x2200];
	s30 =	spop (v2sf)  }
0x88: {  	v8 =	vld [tilespmem:$0x2210];
	s17 =	sshll.u32 s30, $0x4  }
0x89: {  	s18 =	sadd.s32 s17, s28  }
0x8a: {  	v51 =	vmov s12;
	s14 =	sadd.s32 s18, s14  }
0x8b: {  	vm13 =	veq.s32 v51, v0;
	s14 =	sadd.s32 $0x80000001, s14  }
0x8c: {  	vm14 =	veq.s32 v51, v5;
	v7 =	vsel vm13, s14, v7  }
0x8d: {  	s17 =	sand.u32 $0x70, s17;
	s31 =	sand.u32 $0xFFFFFF80, s18;
	v8 =	vsel vm14, s14, v8;
	[tilespmem:$0x2200] =	vst v7  }
0x8e: {  	s14 =	sor.u32 s17, s31;
	[tilespmem:$0x2210] =	vst v8  }
0x8f: {  	v7 =	vld [tilespmem:s14+$0x0];
	_ =	sdelay $0x2  }
0x90: {  	v8 =	vmov s15  }
0x91: {  	vm15 =	veq.s32 v8, v0  }
0x92: {  	v7 =	vsel vm15, $0xFF61B1E6, v7  }
0x93: {  	[tilespmem:s14+$0x0] =	vst v7  }
0x94: {  	v7 =	vld [tilespmem:s28+$0x0]  }
0x95: {  	v8 =	vld [tilespmem:s28+$0x10]  }
0x96: {  	v52 =	vld [tilespmem:s28+$0x20]  }
0x97: {  	v53 =	vld [tilespmem:s28+$0x30]  }
0x98: {  	v54 =	vld [tilespmem:s28+$0x40]  }
0x99: {  	v55 =	vld [tilespmem:s28+$0x50]  }
0x9a: {  	v7 =	vmax.f32 v7, v8;
	v8 =	vld [tilespmem:s28+$0x60]  }
0x9b: {  	v56 =	vld [tilespmem:s28+$0x70];
	v7 =	vmax.f32 v7, v52  }
0x9c: {  	v57 =	vld [tilespmem:s28+$0x80];
	v7 =	vmax.f32 v7, v53  }
0x9d: {  	v58 =	vld [tilespmem:s28+$0x90];
	v7 =	vmax.f32 v7, v54  }
0x9e: {  	v59 =	vld [tilespmem:s28+$0xA0];
	v7 =	vmax.f32 v7, v55  }
0x9f: {  	v7 =	vmax.f32 v7, v8;
	v8 =	vld [tilespmem:s28+$0xB0]  }
0xa0: {  	v60 =	vld [tilespmem:s28+$0xC0];
	v7 =	vmax.f32 v7, v56  }
0xa1: {  	v61 =	vld [tilespmem:s28+$0xD0];
	v7 =	vmax.f32 v7, v57  }
0xa2: {  	v62 =	vld [tilespmem:s28+$0xE0];
	v7 =	vmax.f32 v7, v58  }
0xa3: {  	v63 =	vld [tilespmem:s28+$0xF0];
	v7 =	vmax.f32 v7, v59  }
0xa4: {  	p0 =	sne.s32 s12, $0x1E;
	v7 =	vmax.f32 v7, v8  }
.Ltmp1:
0xa5: {  	v7 =	vmax.f32 v7, v60;
	(pc) =	sbr.rel @p0 .LBB2_4-.Ltmp1, $4  }
0xa6: {  	v7 =	vmax.f32 v7, v61  }
0xa7: {  	s13 =	sshll.u32 s13, $0x6;
	v7 =	vmax.f32 v7, v62  }
0xa8: {  	s13 =	sshra.s32 s13, $0x2;
	v7 =	vmax.f32 v7, v63  }
0xa9: {  	s12 =	sadd.s32 $0x1, s12;
	[tilespmem:s13+$0x2000] =	vst v7  }
0xaa: {  	v7 =	vld [tilespmem:$0x2200]  }
0xab: {  	v8 =	vld [tilespmem:$0x2210];
	_ =	sdelay $0x2  }
0xac: {  	vm0 =	veq.s32 v0, $0x0  }
0xad: {  	vm14 =	veq.s32 v0, $0xF;
	v7 =	vsel vm0, $0x0, v7  }
0xae: {  	v8 =	vsel vm14, $0x1FFF, v8;
	(xrf1) =	vsort.ascd.msk.u32 $0xffff, v7, v7  }
0xaf: {  	(xrf1) =	vsort.ascd.msk.u32 $0xffff, v8, v8;
	_ =	sdelay $0xc  }
0xb0: {  	v7, _, _ =	vpop (xrf1)  }
0xb1: {  	v8, _, _ =	vpop (xrf1)  }
0xb2: {  	v8 =	vperm.xlane v8, v6;
	_ =	sdelay $0x1  }
0xb3: {  	vm15 =	vlt.s32 v7, v8  }
0xb4: {  	v9 =	vsel vm15, v7, v8  }
0xb5: {  	v7 =	vsel vm15, v8, v7;
	(xrf1) =	vsort.ascd.msk.u32 $0xffff, v9, v9  }
0xb6: {  	(xrf1) =	vsort.ascd.msk.u32 $0xffff, v7, v7;
	_ =	sdelay $0xc  }
0xb7: {  	s11 =	sadd.s32 $0x1, s11;
	v7, _, _ =	vpop (xrf1)  }
0xb8: {  	p0 =	sne.s32 s11, s5;
	[tilespmem:$0x2200] =	vst v7;
	v7, _, _ =	vpop (xrf1)  }
.Ltmp2:
0xb9: {  	[tilespmem:$0x2210] =	vst v7;
	(pc) =	sbr.rel @p0 .LBB2_1-.Ltmp2, $4  }
0xba: {  	[hbm4b:s4+s2] =	stream.linear.scatter [tilespmem:s9], [sflag:$0x2], $0x80, $0x38;
	[tilespmem:$0x2280] =	vst v63  }
0xbb: {  	_ =	swait.ge [sflag:s10], $0x80  }
0xbc: {  	[sflag:s10] =	ssyncset.done $0x0  }
0xbd: {  	[sflag:s10] =	ssyncadd.s32 $0xFFFFFF80  }
0xbe: {  	_ =	sfence.sel $0x180000  }
0xbf: {  	[bflag:$0x0] =	sbarrier.arrive $0xFFFF  }
0xc0: {  	p0 =	sne.s32 s1, $0x0;
	_ =	strace $0x90000047  }
0xc1: {  	s0 =	sadd.s32 @!p0 $0x100000, s0;
	[bflag:$0x2] =	sbarrier.arrive $0xFFFF  }
0xc2: {  	[sflag:s0] =	ssyncadd.tile.s32 @!p0 $0x1;
	_ =	shalt  }
.Lfunc_end2:
_tile_overlayer_lowered:
.L_overlay_start_2:
0xc3: {  	(tag) =	ssettag $0x2  }
0xc4: {  	s0 =	rddreg [dreg:$0x0];
	s2 =	stileid.u32  }
0xc5: {  	s1 =	rddreg [dreg:$0x1];
	p0 =	sne.s32 s2, $0x0  }
0xc6: {  	s3 =	rddreg [dreg:$0x2];
	[bflag:$0x3] =	sbarrier.arrive $0xFFFF;
	s2 =	simm.s32 @!p0 $0x1C02  }
0xc7: {  	[timem:s3], [sflag:s2] =	dma.local @!p0 [hbm:s0], s1  }
0xc8: {  	s0 =	simm.s32 @!p0 $0x2  }
0xc9: {  	_ =	swait.ge @!p0 [sflag:s0], s1  }
0xca: {  	s1 =	ssub.s32 @!p0 $0x0, s1;
	[sflag:s0] =	ssyncset.done @!p0 $0x0  }
0xcb: {  	[sflag:s0] =	ssyncadd.s32 @!p0 s1  }
0xcc: {  	[bflag:$0x3] =	sbarrier.arrive $0xFFFF  }
0xcd: {  	_ =	shalt  }

</sc_bundles>
